<compile_context>
chip_gen: v7x
topology: tpu7x:2x2x1
jax: 0.10.2.dev20260603
libtpu: 0.0.44.dev20260713+nightly
codegen_flags: <defaults>
</compile_context>

<pallas_src>
import functools

import jax
import jax.numpy as jnp
from jax import lax
from jax.experimental import pallas as pl
from jax.experimental.pallas import tpu as pltpu
from jax.experimental.pallas import tpu_sc as plsc

EMBED_DIM = 64
PAD_DIM = 128
SEQ = 200
NUM_CORES = 2
NUM_SUBCORES = 16
NUM_WORKERS = NUM_CORES * NUM_SUBCORES
ROW_CHUNKS = ((0, 128), (128, 72))


@functools.partial(jax.jit, static_argnames=("batch",))
def _gather_native(idx_flat, table_p, batch):
    total = batch * SEQ
    b_per_w = total // NUM_WORKERS
    batches_per_w = batch // NUM_WORKERS
    mesh = plsc.VectorSubcoreMesh(
        core_axis_name="c",
        subcore_axis_name="s",
        num_cores=NUM_CORES,
        num_subcores=NUM_SUBCORES,
    )

    @functools.partial(
        pl.kernel,
        mesh=mesh,
        out_type=jax.ShapeDtypeStruct((batch, SEQ, EMBED_DIM), jnp.float32),
        scratch_types=[
            pltpu.VMEM((total // NUM_WORKERS,), jnp.int32),
            pltpu.VMEM((2, SEQ, PAD_DIM), jnp.float32),
            pltpu.VMEM((2, 1, SEQ, EMBED_DIM), jnp.float32),
            pltpu.SemaphoreType.DMA,
            pltpu.SemaphoreType.DMA,
            pltpu.SemaphoreType.DMA,
            pltpu.SemaphoreType.DMA,
        ],
    )
    def k(table_hbm, idx_hbm, out_hbm, idx_v, rows_a, rows_b,
          gsem0, gsem1, ssem0, ssem1):
        wid = lax.axis_index("s") * NUM_CORES + lax.axis_index("c")
        base = wid * b_per_w
        batch_base = wid * batches_per_w
        gsem = (gsem0, gsem1)
        ssem = (ssem0, ssem1)

        pltpu.sync_copy(idx_hbm.at[pl.ds(base, b_per_w)], idx_v)

        def fire_gathers(j, p):
            handles = []
            for off, sz in ROW_CHUNKS:
                handles.append(
                    pltpu.async_copy(
                        table_hbm.at[idx_v.at[pl.ds(j * SEQ + off, sz)]],
                        rows_a.at[p, pl.ds(off, sz)],
                        gsem[p],
                    )
                )
            return handles

        def repack(p):
            def body(r, carry):
                for c in range(EMBED_DIM // 16):
                    rows_b[p, 0, r, pl.ds(c * 16, 16)] = (
                        rows_a[p, r, pl.ds(c * 16, 16)]
                    )
                return carry
            lax.fori_loop(0, SEQ, body, 0)

        def fire_store(j, p):
            pltpu.async_copy(
                rows_b.at[p], out_hbm.at[pl.ds(batch_base + j, 1)], ssem[p]
            )

        def drain_store(p):
            pltpu.make_async_copy(
                rows_b.at[p], out_hbm.at[pl.ds(batch_base, 1)], ssem[p]
            ).wait()

        def do_pair(j, first):
            hg0 = fire_gathers(j, 0)
            hg1 = fire_gathers(j + 1, 1)
            for h in hg0:
                h.wait()
            if not first:
                drain_store(0)
            repack(0)
            fire_store(j, 0)
            for h in hg1:
                h.wait()
            if not first:
                drain_store(1)
            repack(1)
            fire_store(j + 1, 1)

        do_pair(0, first=True)

        def loop_body(t, carry):
            do_pair(2 + 2 * t, first=False)
            return carry

        lax.fori_loop(0, (batches_per_w - 2) // 2, loop_body, 0)
        drain_store(0)
        drain_store(1)

    return k(table_p, idx_flat)


def kernel(gene_ids, table):
    batch, seq = gene_ids.shape
    idx_flat = gene_ids.reshape(batch * seq).astype(jnp.int32)
    table_p = jnp.pad(table, ((0, 0), (0, PAD_DIM - EMBED_DIM)))
    emb = _gather_native(idx_flat, table_p, batch)
    return (gene_ids, emb)

# --- scband reference (transcript-rebuilt; emitter-appended) ---
"""Pipeline reference for scband-gene-tokenizer-3118146257498 (READ-ONLY COPY).

The authoritative reference and input builder live on the scoring server;
editing this copy changes nothing except your own understanding.
"""

import jax, jax.numpy as jnp
import numpy as np

VOCAB_SIZE = 100000
EMBED_DIM = 64
PAD_TOKEN_ID = 0
INIT_SCALE = 0.02
BATCH = 4096
SEQ = 200


def setup_inputs(seed: int = 0) -> dict:
    key = jax.random.key(seed)
    k_ids, k_tab = jax.random.split(key)
    gene_ids = jax.random.randint(k_ids, (BATCH, SEQ), 0, VOCAB_SIZE, dtype=jnp.int64 if jax.config.jax_enable_x64 else jnp.int32)
    table = jax.random.normal(k_tab, (VOCAB_SIZE, EMBED_DIM), dtype=jnp.float32) * INIT_SCALE
    # pad token row is zeroed, matching nn.init + pad zeroing in __init__
    table = table.at[PAD_TOKEN_ID].set(0.0)
    return {"gene_ids": gene_ids, "table": table}


def reference(gene_ids, table):
    # forward with gene_mask=None: input_ids = gene_ids.clone(); embeddings = embedding(input_ids)
    input_ids = gene_ids
    embeddings = jnp.take(table, input_ids, axis=0)
    return (input_ids, embeddings)

if __name__ == "__main__":
    import jax
    _d = setup_inputs()
    print(jax.jit(kernel)(*tuple(_d.values())))

</pallas_src>

<mosaic_0001>
#map = affine_map<(d0, d1) -> (0, 0)>
#map1 = affine_map<(d0, d1) -> (0)>
#map2 = affine_map<(d0, d1) -> (0, 0, 0)>
module attributes {stable_mosaic.version = 14 : i64} {
  func.func @k(%arg0: i32, %arg1: i32, %arg2: memref<100000x128xf32, #tpu.memory_space<hbm>>, %arg3: memref<819200xi32, #tpu.memory_space<hbm>>, %arg4: memref<4096x200x64xf32, #tpu.memory_space<hbm>>, %arg5: memref<25600xi32, #tpu.memory_space<vmem>>, %arg6: memref<2x200x128xf32, #tpu.memory_space<vmem>>, %arg7: memref<2x1x200x64xf32, #tpu.memory_space<vmem>>, %arg8: memref<!tpu.dma_semaphore, #tpu.memory_space<semaphore_mem>>, %arg9: memref<!tpu.dma_semaphore, #tpu.memory_space<semaphore_mem>>, %arg10: memref<!tpu.dma_semaphore, #tpu.memory_space<semaphore_mem>>, %arg11: memref<!tpu.dma_semaphore, #tpu.memory_space<semaphore_mem>>) attributes {dimension_semantics = [#tpu.dimension_semantics<core_parallel>, #tpu.dimension_semantics<subcore_parallel>], iteration_bounds = array<i64: 2, 16>, scalar_prefetch = 0 : i64, scratch_operands = 7 : i64, tpu.core_type = #tpu.core_type<sc_vector_subcore>, window_params = [{transform_indices = #map}, {transform_indices = #map1}, {transform_indices = #map2}]} {
    %mul3A = arith.constant 2 : i32
    %mul3A_0 = arith.muli %arg1, %mul3A : i32
    %add3A = arith.addi %mul3A_0, %arg0 : i32
    %mul3A_1 = arith.constant 25600 : i32
    %mul3A_2 = arith.muli %add3A, %mul3A_1 : i32
    %mul3A_3 = arith.constant 128 : i32
    %mul3A_4 = arith.muli %add3A, %mul3A_3 : i32
    "tpu.region"() ({
      %run_scoped3A = tpu.sem_alloc : memref<!tpu.dma_semaphore, #tpu.memory_space<semaphore_mem>>
      %dma_start3A_172 = tpu.memref_slice %arg3[%mul3A_2] : memref<819200xi32, #tpu.memory_space<hbm>> -> memref<25600xi32, #tpu.memory_space<hbm>>
      %dma_start3A_173 = tpu.memref_slice %arg3[%mul3A_2] : memref<819200xi32, #tpu.memory_space<hbm>> -> memref<25600xi32, #tpu.memory_space<hbm>>
      tpu.enqueue_dma source(%dma_start3A_173 : memref<25600xi32, #tpu.memory_space<hbm>>) target(%arg5 : memref<25600xi32, #tpu.memory_space<vmem>>) target_semaphore(%run_scoped3A : memref<!tpu.dma_semaphore, #tpu.memory_space<semaphore_mem>>)
      %dma_wait3A_174 = tpu.memref_slice %arg3[%mul3A_2] : memref<819200xi32, #tpu.memory_space<hbm>> -> memref<25600xi32, #tpu.memory_space<hbm>>
      %dma_wait3A_175 = tpu.memref_slice %arg3[%mul3A_2] : memref<819200xi32, #tpu.memory_space<hbm>> -> memref<25600xi32, #tpu.memory_space<hbm>>
      tpu.wait_dma2 semaphore(%run_scoped3A : memref<!tpu.dma_semaphore, #tpu.memory_space<semaphore_mem>>) src(%dma_wait3A_175 : memref<25600xi32, #tpu.memory_space<hbm>>) dst(%arg5 : memref<25600xi32, #tpu.memory_space<vmem>>)
      tpu.yield
    }) : () -> ()
    %dma_start3A = arith.constant 0 : i32
    %dma_start3A_5 = arith.constant 0 : i32
    %dma_start3A_6 = arith.constant 0 : i32
    %dma_start3A_7 = tpu.memref_slice %arg6[%dma_start3A, %dma_start3A_5, %dma_start3A_6] : memref<2x200x128xf32, #tpu.memory_space<vmem>> -> memref<1x128x128xf32, #tpu.memory_space<vmem>>
    %dma_start3A_8 = tpu.memref_squeeze %dma_start3A_7 : memref<1x128x128xf32, #tpu.memory_space<vmem>> -> memref<128x128xf32, #tpu.memory_space<vmem>>
    %dma_start3A_9 = arith.constant 0 : i32
    %dma_start3A_10 = tpu.memref_slice %arg5[%dma_start3A_9] : memref<25600xi32, #tpu.memory_space<vmem>> -> memref<128xi32, #tpu.memory_space<vmem>>
    %dma_start3A_11 = arith.constant 0 : i32
    %dma_start3A_12 = arith.constant 0 : i32
    %dma_start3A_13 = tpu.memref_slice %arg2[%dma_start3A_11, %dma_start3A_12] : memref<100000x128xf32, #tpu.memory_space<hbm>> -> memref<100000x128xf32, #tpu.memory_space<hbm>>
    tpu.enqueue_indirect_dma source(%dma_start3A_13 : memref<100000x128xf32, #tpu.memory_space<hbm>>) target(%dma_start3A_8 : memref<128x128xf32, #tpu.memory_space<vmem>>) offsets(%dma_start3A_10 : memref<128xi32, #tpu.memory_space<vmem>>) semaphore(%arg8 : memref<!tpu.dma_semaphore, #tpu.memory_space<semaphore_mem>>)
    %dma_start3A_14 = arith.constant 0 : i32
    %dma_start3A_15 = arith.constant 128 : i32
    %dma_start3A_16 = arith.constant 0 : i32
    %dma_start3A_17 = tpu.memref_slice %arg6[%dma_start3A_14, %dma_start3A_15, %dma_start3A_16] : memref<2x200x128xf32, #tpu.memory_space<vmem>> -> memref<1x72x128xf32, #tpu.memory_space<vmem>>
    %dma_start3A_18 = tpu.memref_squeeze %dma_start3A_17 : memref<1x72x128xf32, #tpu.memory_space<vmem>> -> memref<72x128xf32, #tpu.memory_space<vmem>>
    %dma_start3A_19 = arith.constant 128 : i32
    %dma_start3A_20 = tpu.memref_slice %arg5[%dma_start3A_19] : memref<25600xi32, #tpu.memory_space<vmem>> -> memref<72xi32, #tpu.memory_space<vmem>>
    %dma_start3A_21 = arith.constant 0 : i32
    %dma_start3A_22 = arith.constant 0 : i32
    %dma_start3A_23 = tpu.memref_slice %arg2[%dma_start3A_21, %dma_start3A_22] : memref<100000x128xf32, #tpu.memory_space<hbm>> -> memref<100000x128xf32, #tpu.memory_space<hbm>>
    tpu.enqueue_indirect_dma source(%dma_start3A_23 : memref<100000x128xf32, #tpu.memory_space<hbm>>) target(%dma_start3A_18 : memref<72x128xf32, #tpu.memory_space<vmem>>) offsets(%dma_start3A_20 : memref<72xi32, #tpu.memory_space<vmem>>) semaphore(%arg8 : memref<!tpu.dma_semaphore, #tpu.memory_space<semaphore_mem>>)
    %dma_start3A_24 = arith.constant 1 : i32
    %dma_start3A_25 = arith.constant 0 : i32
    %dma_start3A_26 = arith.constant 0 : i32
    %dma_start3A_27 = tpu.memref_slice %arg6[%dma_start3A_24, %dma_start3A_25, %dma_start3A_26] : memref<2x200x128xf32, #tpu.memory_space<vmem>> -> memref<1x128x128xf32, #tpu.memory_space<vmem>>
    %dma_start3A_28 = tpu.memref_squeeze %dma_start3A_27 : memref<1x128x128xf32, #tpu.memory_space<vmem>> -> memref<128x128xf32, #tpu.memory_space<vmem>>
    %dma_start3A_29 = arith.constant 200 : i32
    %dma_start3A_30 = tpu.memref_slice %arg5[%dma_start3A_29] : memref<25600xi32, #tpu.memory_space<vmem>> -> memref<128xi32, #tpu.memory_space<vmem>>
    %dma_start3A_31 = arith.constant 0 : i32
    %dma_start3A_32 = arith.constant 0 : i32
    %dma_start3A_33 = tpu.memref_slice %arg2[%dma_start3A_31, %dma_start3A_32] : memref<100000x128xf32, #tpu.memory_space<hbm>> -> memref<100000x128xf32, #tpu.memory_space<hbm>>
    tpu.enqueue_indirect_dma source(%dma_start3A_33 : memref<100000x128xf32, #tpu.memory_space<hbm>>) target(%dma_start3A_28 : memref<128x128xf32, #tpu.memory_space<vmem>>) offsets(%dma_start3A_30 : memref<128xi32, #tpu.memory_space<vmem>>) semaphore(%arg9 : memref<!tpu.dma_semaphore, #tpu.memory_space<semaphore_mem>>)
    %dma_start3A_34 = arith.constant 1 : i32
    %dma_start3A_35 = arith.constant 128 : i32
    %dma_start3A_36 = arith.constant 0 : i32
    %dma_start3A_37 = tpu.memref_slice %arg6[%dma_start3A_34, %dma_start3A_35, %dma_start3A_36] : memref<2x200x128xf32, #tpu.memory_space<vmem>> -> memref<1x72x128xf32, #tpu.memory_space<vmem>>
    %dma_start3A_38 = tpu.memref_squeeze %dma_start3A_37 : memref<1x72x128xf32, #tpu.memory_space<vmem>> -> memref<72x128xf32, #tpu.memory_space<vmem>>
    %dma_start3A_39 = arith.constant 328 : i32
    %dma_start3A_40 = tpu.memref_slice %arg5[%dma_start3A_39] : memref<25600xi32, #tpu.memory_space<vmem>> -> memref<72xi32, #tpu.memory_space<vmem>>
    %dma_start3A_41 = arith.constant 0 : i32
    %dma_start3A_42 = arith.constant 0 : i32
    %dma_start3A_43 = tpu.memref_slice %arg2[%dma_start3A_41, %dma_start3A_42] : memref<100000x128xf32, #tpu.memory_space<hbm>> -> memref<100000x128xf32, #tpu.memory_space<hbm>>
    tpu.enqueue_indirect_dma source(%dma_start3A_43 : memref<100000x128xf32, #tpu.memory_space<hbm>>) target(%dma_start3A_38 : memref<72x128xf32, #tpu.memory_space<vmem>>) offsets(%dma_start3A_40 : memref<72xi32, #tpu.memory_space<vmem>>) semaphore(%arg9 : memref<!tpu.dma_semaphore, #tpu.memory_space<semaphore_mem>>)
    %dma_wait3A = arith.constant 0 : i32
    %dma_wait3A_44 = arith.constant 0 : i32
    %dma_wait3A_45 = arith.constant 0 : i32
    %dma_wait3A_46 = tpu.memref_slice %arg6[%dma_wait3A, %dma_wait3A_44, %dma_wait3A_45] : memref<2x200x128xf32, #tpu.memory_space<vmem>> -> memref<1x128x128xf32, #tpu.memory_space<vmem>>
    %dma_wait3A_47 = tpu.memref_squeeze %dma_wait3A_46 : memref<1x128x128xf32, #tpu.memory_space<vmem>> -> memref<128x128xf32, #tpu.memory_space<vmem>>
    %dma_wait3A_48 = arith.constant 0 : i32
    %dma_wait3A_49 = tpu.memref_slice %arg5[%dma_wait3A_48] : memref<25600xi32, #tpu.memory_space<vmem>> -> memref<128xi32, #tpu.memory_space<vmem>>
    %dma_wait3A_50 = arith.constant 0 : i32
    %dma_wait3A_51 = arith.constant 0 : i32
    %dma_wait3A_52 = tpu.memref_slice %arg2[%dma_wait3A_50, %dma_wait3A_51] : memref<100000x128xf32, #tpu.memory_space<hbm>> -> memref<100000x128xf32, #tpu.memory_space<hbm>>
    tpu.wait_indirect_dma semaphore(%arg8 : memref<!tpu.dma_semaphore, #tpu.memory_space<semaphore_mem>>) src(%dma_wait3A_52 : memref<100000x128xf32, #tpu.memory_space<hbm>>) dst(%dma_wait3A_47 : memref<128x128xf32, #tpu.memory_space<vmem>>)
    %dma_wait3A_53 = arith.constant 0 : i32
    %dma_wait3A_54 = arith.constant 128 : i32
    %dma_wait3A_55 = arith.constant 0 : i32
    %dma_wait3A_56 = tpu.memref_slice %arg6[%dma_wait3A_53, %dma_wait3A_54, %dma_wait3A_55] : memref<2x200x128xf32, #tpu.memory_space<vmem>> -> memref<1x72x128xf32, #tpu.memory_space<vmem>>
    %dma_wait3A_57 = tpu.memref_squeeze %dma_wait3A_56 : memref<1x72x128xf32, #tpu.memory_space<vmem>> -> memref<72x128xf32, #tpu.memory_space<vmem>>
    %dma_wait3A_58 = arith.constant 128 : i32
    %dma_wait3A_59 = tpu.memref_slice %arg5[%dma_wait3A_58] : memref<25600xi32, #tpu.memory_space<vmem>> -> memref<72xi32, #tpu.memory_space<vmem>>
    %dma_wait3A_60 = arith.constant 0 : i32
    %dma_wait3A_61 = arith.constant 0 : i32
    %dma_wait3A_62 = tpu.memref_slice %arg2[%dma_wait3A_60, %dma_wait3A_61] : memref<100000x128xf32, #tpu.memory_space<hbm>> -> memref<100000x128xf32, #tpu.memory_space<hbm>>
    tpu.wait_indirect_dma semaphore(%arg8 : memref<!tpu.dma_semaphore, #tpu.memory_space<semaphore_mem>>) src(%dma_wait3A_62 : memref<100000x128xf32, #tpu.memory_space<hbm>>) dst(%dma_wait3A_57 : memref<72x128xf32, #tpu.memory_space<vmem>>)
    %scan3A = arith.constant 0 : i32
    %scan3A_63 = arith.constant 0 : i32
    %scan3A_64 = arith.constant 200 : i32
    %scan3A_65 = arith.addi %scan3A_63, %scan3A_64 : i32
    %scan3A_66 = arith.constant 1 : i32
    scf.for %scan3A_172 = %scan3A_63 to %scan3A_65 step %scan3A_66  : i32 {
      %get3A = arith.constant 0 : i32
      %get3A_173 = arith.index_cast %get3A : i32 to index
      %get3A_174 = arith.index_cast %scan3A_172 : i32 to index
      %get3A_175 = arith.constant 0 : index
      %get3A_176 = tpu.vector_load %arg6[%get3A_173, %get3A_174, %get3A_175] {strides = array<i32>} : memref<2x200x128xf32, #tpu.memory_space<vmem>>, vector<1x1x16xf32>,
      %get3A_177 = vector.shape_cast %get3A_176 : vector<1x1x16xf32> to vector<16xf32>
      %swap3A = arith.constant 0 : i32
      %swap3A_178 = arith.constant 0 : i32
      %swap3A_179 = arith.index_cast %swap3A : i32 to index
      %swap3A_180 = arith.index_cast %swap3A_178 : i32 to index
      %swap3A_181 = arith.index_cast %scan3A_172 : i32 to index
      %swap3A_182 = arith.constant 0 : index
      %swap3A_183 = tpu.vector_load %arg7[%swap3A_179, %swap3A_180, %swap3A_181, %swap3A_182] {strides = array<i32>} : memref<2x1x200x64xf32, #tpu.memory_space<vmem>>, vector<1x1x1x16xf32>,
      %swap3A_184 = vector.shape_cast %swap3A_183 : vector<1x1x1x16xf32> to vector<16xf32>
      %swap3A_185 = vector.shape_cast %get3A_177 : vector<16xf32> to vector<1x1x1x16xf32>
      tpu.vector_store %arg7[%swap3A_179, %swap3A_180, %swap3A_181, %swap3A_182], %swap3A_185 {strides = array<i32>} : memref<2x1x200x64xf32, #tpu.memory_space<vmem>>, vector<1x1x1x16xf32>,
      %get3A_186 = arith.constant 0 : i32
      %get3A_187 = arith.index_cast %get3A_186 : i32 to index
      %get3A_188 = arith.index_cast %scan3A_172 : i32 to index
      %get3A_189 = arith.constant 16 : index
      %get3A_190 = tpu.vector_load %arg6[%get3A_187, %get3A_188, %get3A_189] {strides = array<i32>} : memref<2x200x128xf32, #tpu.memory_space<vmem>>, vector<1x1x16xf32>,
      %get3A_191 = vector.shape_cast %get3A_190 : vector<1x1x16xf32> to vector<16xf32>
      %swap3A_192 = arith.constant 0 : i32
      %swap3A_193 = arith.constant 0 : i32
      %swap3A_194 = arith.index_cast %swap3A_192 : i32 to index
      %swap3A_195 = arith.index_cast %swap3A_193 : i32 to index
      %swap3A_196 = arith.index_cast %scan3A_172 : i32 to index
      %swap3A_197 = arith.constant 16 : index
      %swap3A_198 = tpu.vector_load %arg7[%swap3A_194, %swap3A_195, %swap3A_196, %swap3A_197] {strides = array<i32>} : memref<2x1x200x64xf32, #tpu.memory_space<vmem>>, vector<1x1x1x16xf32>,
      %swap3A_199 = vector.shape_cast %swap3A_198 : vector<1x1x1x16xf32> to vector<16xf32>
      %swap3A_200 = vector.shape_cast %get3A_191 : vector<16xf32> to vector<1x1x1x16xf32>
      tpu.vector_store %arg7[%swap3A_194, %swap3A_195, %swap3A_196, %swap3A_197], %swap3A_200 {strides = array<i32>} : memref<2x1x200x64xf32, #tpu.memory_space<vmem>>, vector<1x1x1x16xf32>,
      %get3A_201 = arith.constant 0 : i32
      %get3A_202 = arith.index_cast %get3A_201 : i32 to index
      %get3A_203 = arith.index_cast %scan3A_172 : i32 to index
      %get3A_204 = arith.constant 32 : index
      %get3A_205 = tpu.vector_load %arg6[%get3A_202, %get3A_203, %get3A_204] {strides = array<i32>} : memref<2x200x128xf32, #tpu.memory_space<vmem>>, vector<1x1x16xf32>,
      %get3A_206 = vector.shape_cast %get3A_205 : vector<1x1x16xf32> to vector<16xf32>
      %swap3A_207 = arith.constant 0 : i32
      %swap3A_208 = arith.constant 0 : i32
      %swap3A_209 = arith.index_cast %swap3A_207 : i32 to index
      %swap3A_210 = arith.index_cast %swap3A_208 : i32 to index
      %swap3A_211 = arith.index_cast %scan3A_172 : i32 to index
      %swap3A_212 = arith.constant 32 : index
      %swap3A_213 = tpu.vector_load %arg7[%swap3A_209, %swap3A_210, %swap3A_211, %swap3A_212] {strides = array<i32>} : memref<2x1x200x64xf32, #tpu.memory_space<vmem>>, vector<1x1x1x16xf32>,
      %swap3A_214 = vector.shape_cast %swap3A_213 : vector<1x1x1x16xf32> to vector<16xf32>
      %swap3A_215 = vector.shape_cast %get3A_206 : vector<16xf32> to vector<1x1x1x16xf32>
      tpu.vector_store %arg7[%swap3A_209, %swap3A_210, %swap3A_211, %swap3A_212], %swap3A_215 {strides = array<i32>} : memref<2x1x200x64xf32, #tpu.memory_space<vmem>>, vector<1x1x1x16xf32>,
      %get3A_216 = arith.constant 0 : i32
      %get3A_217 = arith.index_cast %get3A_216 : i32 to index
      %get3A_218 = arith.index_cast %scan3A_172 : i32 to index
      %get3A_219 = arith.constant 48 : index
      %get3A_220 = tpu.vector_load %arg6[%get3A_217, %get3A_218, %get3A_219] {strides = array<i32>} : memref<2x200x128xf32, #tpu.memory_space<vmem>>, vector<1x1x16xf32>,
      %get3A_221 = vector.shape_cast %get3A_220 : vector<1x1x16xf32> to vector<16xf32>
      %swap3A_222 = arith.constant 0 : i32
      %swap3A_223 = arith.constant 0 : i32
      %swap3A_224 = arith.index_cast %swap3A_222 : i32 to index
      %swap3A_225 = arith.index_cast %swap3A_223 : i32 to index
      %swap3A_226 = arith.index_cast %scan3A_172 : i32 to index
      %swap3A_227 = arith.constant 48 : index
      %swap3A_228 = tpu.vector_load %arg7[%swap3A_224, %swap3A_225, %swap3A_226, %swap3A_227] {strides = array<i32>} : memref<2x1x200x64xf32, #tpu.memory_space<vmem>>, vector<1x1x1x16xf32>,
      %swap3A_229 = vector.shape_cast %swap3A_228 : vector<1x1x1x16xf32> to vector<16xf32>
      %swap3A_230 = vector.shape_cast %get3A_221 : vector<16xf32> to vector<1x1x1x16xf32>
      tpu.vector_store %arg7[%swap3A_224, %swap3A_225, %swap3A_226, %swap3A_227], %swap3A_230 {strides = array<i32>} : memref<2x1x200x64xf32, #tpu.memory_space<vmem>>, vector<1x1x1x16xf32>,
    }
    %scan3A_67 = arith.constant 200 : i32
    %add3A_68 = arith.constant 0 : i32
    %add3A_69 = arith.addi %mul3A_4, %add3A_68 : i32
    %dma_start3A_70 = arith.constant 0 : i32
    %dma_start3A_71 = arith.constant 0 : i32
    %dma_start3A_72 = arith.constant 0 : i32
    %dma_start3A_73 = arith.constant 0 : i32
    %dma_start3A_74 = tpu.memref_slice %arg7[%dma_start3A_70, %dma_start3A_71, %dma_start3A_72, %dma_start3A_73] : memref<2x1x200x64xf32, #tpu.memory_space<vmem>> -> memref<1x1x200x64xf32, #tpu.memory_space<vmem>>
    %dma_start3A_75 = tpu.memref_squeeze %dma_start3A_74 : memref<1x1x200x64xf32, #tpu.memory_space<vmem>> -> memref<1x200x64xf32, #tpu.memory_space<vmem>>
    %dma_start3A_76 = arith.constant 0 : i32
    %dma_start3A_77 = arith.constant 0 : i32
    %dma_start3A_78 = tpu.memref_slice %arg4[%add3A_69, %dma_start3A_76, %dma_start3A_77] : memref<4096x200x64xf32, #tpu.memory_space<hbm>> -> memref<1x200x64xf32, #tpu.memory_space<hbm>>
    %dma_start3A_79 = arith.constant 0 : i32
    %dma_start3A_80 = arith.constant 0 : i32
    %dma_start3A_81 = tpu.memref_slice %arg4[%add3A_69, %dma_start3A_79, %dma_start3A_80] : memref<4096x200x64xf32, #tpu.memory_space<hbm>> -> memref<1x200x64xf32, #tpu.memory_space<hbm>>
    %dma_start3A_82 = arith.constant 0 : i32
    %dma_start3A_83 = arith.constant 0 : i32
    %dma_start3A_84 = arith.constant 0 : i32
    %dma_start3A_85 = tpu.memref_slice %arg7[%dma_start3A_70, %dma_start3A_82, %dma_start3A_83, %dma_start3A_84] : memref<2x1x200x64xf32, #tpu.memory_space<vmem>> -> memref<1x1x200x64xf32, #tpu.memory_space<vmem>>
    %dma_start3A_86 = tpu.memref_squeeze %dma_start3A_85 : memref<1x1x200x64xf32, #tpu.memory_space<vmem>> -> memref<1x200x64xf32, #tpu.memory_space<vmem>>
    tpu.enqueue_dma source(%dma_start3A_86 : memref<1x200x64xf32, #tpu.memory_space<vmem>>) target(%dma_start3A_81 : memref<1x200x64xf32, #tpu.memory_space<hbm>>) target_semaphore(%arg10 : memref<!tpu.dma_semaphore, #tpu.memory_space<semaphore_mem>>)
    %dma_wait3A_87 = arith.constant 1 : i32
    %dma_wait3A_88 = arith.constant 0 : i32
    %dma_wait3A_89 = arith.constant 0 : i32
    %dma_wait3A_90 = tpu.memref_slice %arg6[%dma_wait3A_87, %dma_wait3A_88, %dma_wait3A_89] : memref<2x200x128xf32, #tpu.memory_space<vmem>> -> memref<1x128x128xf32, #tpu.memory_space<vmem>>
    %dma_wait3A_91 = tpu.memref_squeeze %dma_wait3A_90 : memref<1x128x128xf32, #tpu.memory_space<vmem>> -> memref<128x128xf32, #tpu.memory_space<vmem>>
    %dma_wait3A_92 = arith.constant 200 : i32
    %dma_wait3A_93 = tpu.memref_slice %arg5[%dma_wait3A_92] : memref<25600xi32, #tpu.memory_space<vmem>> -> memref<128xi32, #tpu.memory_space<vmem>>
    %dma_wait3A_94 = arith.constant 0 : i32
    %dma_wait3A_95 = arith.constant 0 : i32
    %dma_wait3A_96 = tpu.memref_slice %arg2[%dma_wait3A_94, %dma_wait3A_95] : memref<100000x128xf32, #tpu.memory_space<hbm>> -> memref<100000x128xf32, #tpu.memory_space<hbm>>
    tpu.wait_indirect_dma semaphore(%arg9 : memref<!tpu.dma_semaphore, #tpu.memory_space<semaphore_mem>>) src(%dma_wait3A_96 : memref<100000x128xf32, #tpu.memory_space<hbm>>) dst(%dma_wait3A_91 : memref<128x128xf32, #tpu.memory_space<vmem>>)
    %dma_wait3A_97 = arith.constant 1 : i32
    %dma_wait3A_98 = arith.constant 128 : i32
    %dma_wait3A_99 = arith.constant 0 : i32
    %dma_wait3A_100 = tpu.memref_slice %arg6[%dma_wait3A_97, %dma_wait3A_98, %dma_wait3A_99] : memref<2x200x128xf32, #tpu.memory_space<vmem>> -> memref<1x72x128xf32, #tpu.memory_space<vmem>>
    %dma_wait3A_101 = tpu.memref_squeeze %dma_wait3A_100 : memref<1x72x128xf32, #tpu.memory_space<vmem>> -> memref<72x128xf32, #tpu.memory_space<vmem>>
    %dma_wait3A_102 = arith.constant 328 : i32
    %dma_wait3A_103 = tpu.memref_slice %arg5[%dma_wait3A_102] : memref<25600xi32, #tpu.memory_space<vmem>> -> memref<72xi32, #tpu.memory_space<vmem>>
    %dma_wait3A_104 = arith.constant 0 : i32
    %dma_wait3A_105 = arith.constant 0 : i32
    %dma_wait3A_106 = tpu.memref_slice %arg2[%dma_wait3A_104, %dma_wait3A_105] : memref<100000x128xf32, #tpu.memory_space<hbm>> -> memref<100000x128xf32, #tpu.memory_space<hbm>>
    tpu.wait_indirect_dma semaphore(%arg9 : memref<!tpu.dma_semaphore, #tpu.memory_space<semaphore_mem>>) src(%dma_wait3A_106 : memref<100000x128xf32, #tpu.memory_space<hbm>>) dst(%dma_wait3A_101 : memref<72x128xf32, #tpu.memory_space<vmem>>)
    %scan3A_107 = arith.constant 0 : i32
    %scan3A_108 = arith.constant 0 : i32
    %scan3A_109 = arith.constant 200 : i32
    %scan3A_110 = arith.addi %scan3A_108, %scan3A_109 : i32
    %scan3A_111 = arith.constant 1 : i32
    scf.for %scan3A_172 = %scan3A_108 to %scan3A_110 step %scan3A_111  : i32 {
      %get3A = arith.constant 1 : i32
      %get3A_173 = arith.index_cast %get3A : i32 to index
      %get3A_174 = arith.index_cast %scan3A_172 : i32 to index
      %get3A_175 = arith.constant 0 : index
      %get3A_176 = tpu.vector_load %arg6[%get3A_173, %get3A_174, %get3A_175] {strides = array<i32>} : memref<2x200x128xf32, #tpu.memory_space<vmem>>, vector<1x1x16xf32>,
      %get3A_177 = vector.shape_cast %get3A_176 : vector<1x1x16xf32> to vector<16xf32>
      %swap3A = arith.constant 1 : i32
      %swap3A_178 = arith.constant 0 : i32
      %swap3A_179 = arith.index_cast %swap3A : i32 to index
      %swap3A_180 = arith.index_cast %swap3A_178 : i32 to index
      %swap3A_181 = arith.index_cast %scan3A_172 : i32 to index
      %swap3A_182 = arith.constant 0 : index
      %swap3A_183 = tpu.vector_load %arg7[%swap3A_179, %swap3A_180, %swap3A_181, %swap3A_182] {strides = array<i32>} : memref<2x1x200x64xf32, #tpu.memory_space<vmem>>, vector<1x1x1x16xf32>,
      %swap3A_184 = vector.shape_cast %swap3A_183 : vector<1x1x1x16xf32> to vector<16xf32>
      %swap3A_185 = vector.shape_cast %get3A_177 : vector<16xf32> to vector<1x1x1x16xf32>
      tpu.vector_store %arg7[%swap3A_179, %swap3A_180, %swap3A_181, %swap3A_182], %swap3A_185 {strides = array<i32>} : memref<2x1x200x64xf32, #tpu.memory_space<vmem>>, vector<1x1x1x16xf32>,
      %get3A_186 = arith.constant 1 : i32
      %get3A_187 = arith.index_cast %get3A_186 : i32 to index
      %get3A_188 = arith.index_cast %scan3A_172 : i32 to index
      %get3A_189 = arith.constant 16 : index
      %get3A_190 = tpu.vector_load %arg6[%get3A_187, %get3A_188, %get3A_189] {strides = array<i32>} : memref<2x200x128xf32, #tpu.memory_space<vmem>>, vector<1x1x16xf32>,
      %get3A_191 = vector.shape_cast %get3A_190 : vector<1x1x16xf32> to vector<16xf32>
      %swap3A_192 = arith.constant 1 : i32
      %swap3A_193 = arith.constant 0 : i32
      %swap3A_194 = arith.index_cast %swap3A_192 : i32 to index
      %swap3A_195 = arith.index_cast %swap3A_193 : i32 to index
      %swap3A_196 = arith.index_cast %scan3A_172 : i32 to index
      %swap3A_197 = arith.constant 16 : index
      %swap3A_198 = tpu.vector_load %arg7[%swap3A_194, %swap3A_195, %swap3A_196, %swap3A_197] {strides = array<i32>} : memref<2x1x200x64xf32, #tpu.memory_space<vmem>>, vector<1x1x1x16xf32>,
      %swap3A_199 = vector.shape_cast %swap3A_198 : vector<1x1x1x16xf32> to vector<16xf32>
      %swap3A_200 = vector.shape_cast %get3A_191 : vector<16xf32> to vector<1x1x1x16xf32>
      tpu.vector_store %arg7[%swap3A_194, %swap3A_195, %swap3A_196, %swap3A_197], %swap3A_200 {strides = array<i32>} : memref<2x1x200x64xf32, #tpu.memory_space<vmem>>, vector<1x1x1x16xf32>,
      %get3A_201 = arith.constant 1 : i32
      %get3A_202 = arith.index_cast %get3A_201 : i32 to index
      %get3A_203 = arith.index_cast %scan3A_172 : i32 to index
      %get3A_204 = arith.constant 32 : index
      %get3A_205 = tpu.vector_load %arg6[%get3A_202, %get3A_203, %get3A_204] {strides = array<i32>} : memref<2x200x128xf32, #tpu.memory_space<vmem>>, vector<1x1x16xf32>,
      %get3A_206 = vector.shape_cast %get3A_205 : vector<1x1x16xf32> to vector<16xf32>
      %swap3A_207 = arith.constant 1 : i32
      %swap3A_208 = arith.constant 0 : i32
      %swap3A_209 = arith.index_cast %swap3A_207 : i32 to index
      %swap3A_210 = arith.index_cast %swap3A_208 : i32 to index
      %swap3A_211 = arith.index_cast %scan3A_172 : i32 to index
      %swap3A_212 = arith.constant 32 : index
      %swap3A_213 = tpu.vector_load %arg7[%swap3A_209, %swap3A_210, %swap3A_211, %swap3A_212] {strides = array<i32>} : memref<2x1x200x64xf32, #tpu.memory_space<vmem>>, vector<1x1x1x16xf32>,
      %swap3A_214 = vector.shape_cast %swap3A_213 : vector<1x1x1x16xf32> to vector<16xf32>
      %swap3A_215 = vector.shape_cast %get3A_206 : vector<16xf32> to vector<1x1x1x16xf32>
      tpu.vector_store %arg7[%swap3A_209, %swap3A_210, %swap3A_211, %swap3A_212], %swap3A_215 {strides = array<i32>} : memref<2x1x200x64xf32, #tpu.memory_space<vmem>>, vector<1x1x1x16xf32>,
      %get3A_216 = arith.constant 1 : i32
      %get3A_217 = arith.index_cast %get3A_216 : i32 to index
      %get3A_218 = arith.index_cast %scan3A_172 : i32 to index
      %get3A_219 = arith.constant 48 : index
      %get3A_220 = tpu.vector_load %arg6[%get3A_217, %get3A_218, %get3A_219] {strides = array<i32>} : memref<2x200x128xf32, #tpu.memory_space<vmem>>, vector<1x1x16xf32>,
      %get3A_221 = vector.shape_cast %get3A_220 : vector<1x1x16xf32> to vector<16xf32>
      %swap3A_222 = arith.constant 1 : i32
      %swap3A_223 = arith.constant 0 : i32
      %swap3A_224 = arith.index_cast %swap3A_222 : i32 to index
      %swap3A_225 = arith.index_cast %swap3A_223 : i32 to index
      %swap3A_226 = arith.index_cast %scan3A_172 : i32 to index
      %swap3A_227 = arith.constant 48 : index
      %swap3A_228 = tpu.vector_load %arg7[%swap3A_224, %swap3A_225, %swap3A_226, %swap3A_227] {strides = array<i32>} : memref<2x1x200x64xf32, #tpu.memory_space<vmem>>, vector<1x1x1x16xf32>,
      %swap3A_229 = vector.shape_cast %swap3A_228 : vector<1x1x1x16xf32> to vector<16xf32>
      %swap3A_230 = vector.shape_cast %get3A_221 : vector<16xf32> to vector<1x1x1x16xf32>
      tpu.vector_store %arg7[%swap3A_224, %swap3A_225, %swap3A_226, %swap3A_227], %swap3A_230 {strides = array<i32>} : memref<2x1x200x64xf32, #tpu.memory_space<vmem>>, vector<1x1x1x16xf32>,
    }
    %scan3A_112 = arith.constant 200 : i32
    %add3A_113 = arith.constant 1 : i32
    %add3A_114 = arith.addi %mul3A_4, %add3A_113 : i32
    %dma_start3A_115 = arith.constant 1 : i32
    %dma_start3A_116 = arith.constant 0 : i32
    %dma_start3A_117 = arith.constant 0 : i32
    %dma_start3A_118 = arith.constant 0 : i32
    %dma_start3A_119 = tpu.memref_slice %arg7[%dma_start3A_115, %dma_start3A_116, %dma_start3A_117, %dma_start3A_118] : memref<2x1x200x64xf32, #tpu.memory_space<vmem>> -> memref<1x1x200x64xf32, #tpu.memory_space<vmem>>
    %dma_start3A_120 = tpu.memref_squeeze %dma_start3A_119 : memref<1x1x200x64xf32, #tpu.memory_space<vmem>> -> memref<1x200x64xf32, #tpu.memory_space<vmem>>
    %dma_start3A_121 = arith.constant 0 : i32
    %dma_start3A_122 = arith.constant 0 : i32
    %dma_start3A_123 = tpu.memref_slice %arg4[%add3A_114, %dma_start3A_121, %dma_start3A_122] : memref<4096x200x64xf32, #tpu.memory_space<hbm>> -> memref<1x200x64xf32, #tpu.memory_space<hbm>>
    %dma_start3A_124 = arith.constant 0 : i32
    %dma_start3A_125 = arith.constant 0 : i32
    %dma_start3A_126 = tpu.memref_slice %arg4[%add3A_114, %dma_start3A_124, %dma_start3A_125] : memref<4096x200x64xf32, #tpu.memory_space<hbm>> -> memref<1x200x64xf32, #tpu.memory_space<hbm>>
    %dma_start3A_127 = arith.constant 0 : i32
    %dma_start3A_128 = arith.constant 0 : i32
    %dma_start3A_129 = arith.constant 0 : i32
    %dma_start3A_130 = tpu.memref_slice %arg7[%dma_start3A_115, %dma_start3A_127, %dma_start3A_128, %dma_start3A_129] : memref<2x1x200x64xf32, #tpu.memory_space<vmem>> -> memref<1x1x200x64xf32, #tpu.memory_space<vmem>>
    %dma_start3A_131 = tpu.memref_squeeze %dma_start3A_130 : memref<1x1x200x64xf32, #tpu.memory_space<vmem>> -> memref<1x200x64xf32, #tpu.memory_space<vmem>>
    tpu.enqueue_dma source(%dma_start3A_131 : memref<1x200x64xf32, #tpu.memory_space<vmem>>) target(%dma_start3A_126 : memref<1x200x64xf32, #tpu.memory_space<hbm>>) target_semaphore(%arg11 : memref<!tpu.dma_semaphore, #tpu.memory_space<semaphore_mem>>)
    %scan3A_132 = arith.constant 0 : i32
    %scan3A_133 = arith.constant 0 : i32
    %scan3A_134 = arith.constant 63 : i32
    %scan3A_135 = arith.addi %scan3A_133, %scan3A_134 : i32
    %scan3A_136 = arith.constant 1 : i32
    scf.for %scan3A_172 = %scan3A_133 to %scan3A_135 step %scan3A_136  : i32 {
      %mul3A_173 = arith.constant 2 : i32
      %mul3A_174 = arith.muli %mul3A_173, %scan3A_172 : i32
      %add3A_175 = arith.constant 2 : i32
      %add3A_176 = arith.addi %add3A_175, %mul3A_174 : i32
      %mul3A_177 = arith.constant 200 : i32
      %mul3A_178 = arith.muli %add3A_176, %mul3A_177 : i32
      %add3A_179 = arith.constant 0 : i32
      %add3A_180 = arith.addi %mul3A_178, %add3A_179 : i32
      %dma_start3A_181 = arith.constant 0 : i32
      %dma_start3A_182 = arith.constant 0 : i32
      %dma_start3A_183 = arith.constant 0 : i32
      %dma_start3A_184 = tpu.memref_slice %arg6[%dma_start3A_181, %dma_start3A_182, %dma_start3A_183] : memref<2x200x128xf32, #tpu.memory_space<vmem>> -> memref<1x128x128xf32, #tpu.memory_space<vmem>>
      %dma_start3A_185 = tpu.memref_squeeze %dma_start3A_184 : memref<1x128x128xf32, #tpu.memory_space<vmem>> -> memref<128x128xf32, #tpu.memory_space<vmem>>
      %dma_start3A_186 = tpu.memref_slice %arg5[%add3A_180] : memref<25600xi32, #tpu.memory_space<vmem>> -> memref<128xi32, #tpu.memory_space<vmem>>
      %dma_start3A_187 = arith.constant 0 : i32
      %dma_start3A_188 = arith.constant 0 : i32
      %dma_start3A_189 = tpu.memref_slice %arg2[%dma_start3A_187, %dma_start3A_188] : memref<100000x128xf32, #tpu.memory_space<hbm>> -> memref<100000x128xf32, #tpu.memory_space<hbm>>
      tpu.enqueue_indirect_dma source(%dma_start3A_189 : memref<100000x128xf32, #tpu.memory_space<hbm>>) target(%dma_start3A_185 : memref<128x128xf32, #tpu.memory_space<vmem>>) offsets(%dma_start3A_186 : memref<128xi32, #tpu.memory_space<vmem>>) semaphore(%arg8 : memref<!tpu.dma_semaphore, #tpu.memory_space<semaphore_mem>>)
      %mul3A_190 = arith.constant 200 : i32
      %mul3A_191 = arith.muli %add3A_176, %mul3A_190 : i32
      %add3A_192 = arith.constant 128 : i32
      %add3A_193 = arith.addi %mul3A_191, %add3A_192 : i32
      %dma_start3A_194 = arith.constant 0 : i32
      %dma_start3A_195 = arith.constant 128 : i32
      %dma_start3A_196 = arith.constant 0 : i32
      %dma_start3A_197 = tpu.memref_slice %arg6[%dma_start3A_194, %dma_start3A_195, %dma_start3A_196] : memref<2x200x128xf32, #tpu.memory_space<vmem>> -> memref<1x72x128xf32, #tpu.memory_space<vmem>>
      %dma_start3A_198 = tpu.memref_squeeze %dma_start3A_197 : memref<1x72x128xf32, #tpu.memory_space<vmem>> -> memref<72x128xf32, #tpu.memory_space<vmem>>
      %dma_start3A_199 = tpu.memref_slice %arg5[%add3A_193] : memref<25600xi32, #tpu.memory_space<vmem>> -> memref<72xi32, #tpu.memory_space<vmem>>
      %dma_start3A_200 = arith.constant 0 : i32
      %dma_start3A_201 = arith.constant 0 : i32
      %dma_start3A_202 = tpu.memref_slice %arg2[%dma_start3A_200, %dma_start3A_201] : memref<100000x128xf32, #tpu.memory_space<hbm>> -> memref<100000x128xf32, #tpu.memory_space<hbm>>
      tpu.enqueue_indirect_dma source(%dma_start3A_202 : memref<100000x128xf32, #tpu.memory_space<hbm>>) target(%dma_start3A_198 : memref<72x128xf32, #tpu.memory_space<vmem>>) offsets(%dma_start3A_199 : memref<72xi32, #tpu.memory_space<vmem>>) semaphore(%arg8 : memref<!tpu.dma_semaphore, #tpu.memory_space<semaphore_mem>>)
      %add3A_203 = arith.constant 1 : i32
      %add3A_204 = arith.addi %add3A_176, %add3A_203 : i32
      %mul3A_205 = arith.constant 200 : i32
      %mul3A_206 = arith.muli %add3A_204, %mul3A_205 : i32
      %add3A_207 = arith.constant 0 : i32
      %add3A_208 = arith.addi %mul3A_206, %add3A_207 : i32
      %dma_start3A_209 = arith.constant 1 : i32
      %dma_start3A_210 = arith.constant 0 : i32
      %dma_start3A_211 = arith.constant 0 : i32
      %dma_start3A_212 = tpu.memref_slice %arg6[%dma_start3A_209, %dma_start3A_210, %dma_start3A_211] : memref<2x200x128xf32, #tpu.memory_space<vmem>> -> memref<1x128x128xf32, #tpu.memory_space<vmem>>
      %dma_start3A_213 = tpu.memref_squeeze %dma_start3A_212 : memref<1x128x128xf32, #tpu.memory_space<vmem>> -> memref<128x128xf32, #tpu.memory_space<vmem>>
      %dma_start3A_214 = tpu.memref_slice %arg5[%add3A_208] : memref<25600xi32, #tpu.memory_space<vmem>> -> memref<128xi32, #tpu.memory_space<vmem>>
      %dma_start3A_215 = arith.constant 0 : i32
      %dma_start3A_216 = arith.constant 0 : i32
      %dma_start3A_217 = tpu.memref_slice %arg2[%dma_start3A_215, %dma_start3A_216] : memref<100000x128xf32, #tpu.memory_space<hbm>> -> memref<100000x128xf32, #tpu.memory_space<hbm>>
      tpu.enqueue_indirect_dma source(%dma_start3A_217 : memref<100000x128xf32, #tpu.memory_space<hbm>>) target(%dma_start3A_213 : memref<128x128xf32, #tpu.memory_space<vmem>>) offsets(%dma_start3A_214 : memref<128xi32, #tpu.memory_space<vmem>>) semaphore(%arg9 : memref<!tpu.dma_semaphore, #tpu.memory_space<semaphore_mem>>)
      %mul3A_218 = arith.constant 200 : i32
      %mul3A_219 = arith.muli %add3A_204, %mul3A_218 : i32
      %add3A_220 = arith.constant 128 : i32
      %add3A_221 = arith.addi %mul3A_219, %add3A_220 : i32
      %dma_start3A_222 = arith.constant 1 : i32
      %dma_start3A_223 = arith.constant 128 : i32
      %dma_start3A_224 = arith.constant 0 : i32
      %dma_start3A_225 = tpu.memref_slice %arg6[%dma_start3A_222, %dma_start3A_223, %dma_start3A_224] : memref<2x200x128xf32, #tpu.memory_space<vmem>> -> memref<1x72x128xf32, #tpu.memory_space<vmem>>
      %dma_start3A_226 = tpu.memref_squeeze %dma_start3A_225 : memref<1x72x128xf32, #tpu.memory_space<vmem>> -> memref<72x128xf32, #tpu.memory_space<vmem>>
      %dma_start3A_227 = tpu.memref_slice %arg5[%add3A_221] : memref<25600xi32, #tpu.memory_space<vmem>> -> memref<72xi32, #tpu.memory_space<vmem>>
      %dma_start3A_228 = arith.constant 0 : i32
      %dma_start3A_229 = arith.constant 0 : i32
      %dma_start3A_230 = tpu.memref_slice %arg2[%dma_start3A_228, %dma_start3A_229] : memref<100000x128xf32, #tpu.memory_space<hbm>> -> memref<100000x128xf32, #tpu.memory_space<hbm>>
      tpu.enqueue_indirect_dma source(%dma_start3A_230 : memref<100000x128xf32, #tpu.memory_space<hbm>>) target(%dma_start3A_226 : memref<72x128xf32, #tpu.memory_space<vmem>>) offsets(%dma_start3A_227 : memref<72xi32, #tpu.memory_space<vmem>>) semaphore(%arg9 : memref<!tpu.dma_semaphore, #tpu.memory_space<semaphore_mem>>)
      %dma_wait3A_231 = arith.constant 0 : i32
      %dma_wait3A_232 = arith.constant 0 : i32
      %dma_wait3A_233 = arith.constant 0 : i32
      %dma_wait3A_234 = tpu.memref_slice %arg6[%dma_wait3A_231, %dma_wait3A_232, %dma_wait3A_233] : memref<2x200x128xf32, #tpu.memory_space<vmem>> -> memref<1x128x128xf32, #tpu.memory_space<vmem>>
      %dma_wait3A_235 = tpu.memref_squeeze %dma_wait3A_234 : memref<1x128x128xf32, #tpu.memory_space<vmem>> -> memref<128x128xf32, #tpu.memory_space<vmem>>
      %dma_wait3A_236 = tpu.memref_slice %arg5[%add3A_180] : memref<25600xi32, #tpu.memory_space<vmem>> -> memref<128xi32, #tpu.memory_space<vmem>>
      %dma_wait3A_237 = arith.constant 0 : i32
      %dma_wait3A_238 = arith.constant 0 : i32
      %dma_wait3A_239 = tpu.memref_slice %arg2[%dma_wait3A_237, %dma_wait3A_238] : memref<100000x128xf32, #tpu.memory_space<hbm>> -> memref<100000x128xf32, #tpu.memory_space<hbm>>
      tpu.wait_indirect_dma semaphore(%arg8 : memref<!tpu.dma_semaphore, #tpu.memory_space<semaphore_mem>>) src(%dma_wait3A_239 : memref<100000x128xf32, #tpu.memory_space<hbm>>) dst(%dma_wait3A_235 : memref<128x128xf32, #tpu.memory_space<vmem>>)
      %dma_wait3A_240 = arith.constant 0 : i32
      %dma_wait3A_241 = arith.constant 128 : i32
      %dma_wait3A_242 = arith.constant 0 : i32
      %dma_wait3A_243 = tpu.memref_slice %arg6[%dma_wait3A_240, %dma_wait3A_241, %dma_wait3A_242] : memref<2x200x128xf32, #tpu.memory_space<vmem>> -> memref<1x72x128xf32, #tpu.memory_space<vmem>>
      %dma_wait3A_244 = tpu.memref_squeeze %dma_wait3A_243 : memref<1x72x128xf32, #tpu.memory_space<vmem>> -> memref<72x128xf32, #tpu.memory_space<vmem>>
      %dma_wait3A_245 = tpu.memref_slice %arg5[%add3A_193] : memref<25600xi32, #tpu.memory_space<vmem>> -> memref<72xi32, #tpu.memory_space<vmem>>
      %dma_wait3A_246 = arith.constant 0 : i32
      %dma_wait3A_247 = arith.constant 0 : i32
      %dma_wait3A_248 = tpu.memref_slice %arg2[%dma_wait3A_246, %dma_wait3A_247] : memref<100000x128xf32, #tpu.memory_space<hbm>> -> memref<100000x128xf32, #tpu.memory_space<hbm>>
      tpu.wait_indirect_dma semaphore(%arg8 : memref<!tpu.dma_semaphore, #tpu.memory_space<semaphore_mem>>) src(%dma_wait3A_248 : memref<100000x128xf32, #tpu.memory_space<hbm>>) dst(%dma_wait3A_244 : memref<72x128xf32, #tpu.memory_space<vmem>>)
      %dma_wait3A_249 = arith.constant 0 : i32
      %dma_wait3A_250 = arith.constant 0 : i32
      %dma_wait3A_251 = arith.constant 0 : i32
      %dma_wait3A_252 = arith.constant 0 : i32
      %dma_wait3A_253 = tpu.memref_slice %arg7[%dma_wait3A_249, %dma_wait3A_250, %dma_wait3A_251, %dma_wait3A_252] : memref<2x1x200x64xf32, #tpu.memory_space<vmem>> -> memref<1x1x200x64xf32, #tpu.memory_space<vmem>>
      %dma_wait3A_254 = tpu.memref_squeeze %dma_wait3A_253 : memref<1x1x200x64xf32, #tpu.memory_space<vmem>> -> memref<1x200x64xf32, #tpu.memory_space<vmem>>
      %dma_wait3A_255 = arith.constant 0 : i32
      %dma_wait3A_256 = arith.constant 0 : i32
      %dma_wait3A_257 = tpu.memref_slice %arg4[%mul3A_4, %dma_wait3A_255, %dma_wait3A_256] : memref<4096x200x64xf32, #tpu.memory_space<hbm>> -> memref<1x200x64xf32, #tpu.memory_space<hbm>>
      %dma_wait3A_258 = arith.constant 0 : i32
      %dma_wait3A_259 = arith.constant 0 : i32
      %dma_wait3A_260 = tpu.memref_slice %arg4[%mul3A_4, %dma_wait3A_258, %dma_wait3A_259] : memref<4096x200x64xf32, #tpu.memory_space<hbm>> -> memref<1x200x64xf32, #tpu.memory_space<hbm>>
      %dma_wait3A_261 = arith.constant 0 : i32
      %dma_wait3A_262 = arith.constant 0 : i32
      %dma_wait3A_263 = arith.constant 0 : i32
      %dma_wait3A_264 = tpu.memref_slice %arg7[%dma_wait3A_249, %dma_wait3A_261, %dma_wait3A_262, %dma_wait3A_263] : memref<2x1x200x64xf32, #tpu.memory_space<vmem>> -> memref<1x1x200x64xf32, #tpu.memory_space<vmem>>
      %dma_wait3A_265 = tpu.memref_squeeze %dma_wait3A_264 : memref<1x1x200x64xf32, #tpu.memory_space<vmem>> -> memref<1x200x64xf32, #tpu.memory_space<vmem>>
      tpu.wait_dma2 semaphore(%arg10 : memref<!tpu.dma_semaphore, #tpu.memory_space<semaphore_mem>>) src(%dma_wait3A_265 : memref<1x200x64xf32, #tpu.memory_space<vmem>>) dst(%dma_wait3A_260 : memref<1x200x64xf32, #tpu.memory_space<hbm>>)
      %scan3A_266 = arith.constant 0 : i32
      %scan3A_267 = arith.constant 0 : i32
      %scan3A_268 = arith.constant 200 : i32
      %scan3A_269 = arith.addi %scan3A_267, %scan3A_268 : i32
      %scan3A_270 = arith.constant 1 : i32
      scf.for %scan3A_351 = %scan3A_267 to %scan3A_269 step %scan3A_270  : i32 {
        %get3A = arith.constant 0 : i32
        %get3A_352 = arith.index_cast %get3A : i32 to index
        %get3A_353 = arith.index_cast %scan3A_351 : i32 to index
        %get3A_354 = arith.constant 0 : index
        %get3A_355 = tpu.vector_load %arg6[%get3A_352, %get3A_353, %get3A_354] {strides = array<i32>} : memref<2x200x128xf32, #tpu.memory_space<vmem>>, vector<1x1x16xf32>,
        %get3A_356 = vector.shape_cast %get3A_355 : vector<1x1x16xf32> to vector<16xf32>
        %swap3A = arith.constant 0 : i32
        %swap3A_357 = arith.constant 0 : i32
        %swap3A_358 = arith.index_cast %swap3A : i32 to index
        %swap3A_359 = arith.index_cast %swap3A_357 : i32 to index
        %swap3A_360 = arith.index_cast %scan3A_351 : i32 to index
        %swap3A_361 = arith.constant 0 : index
        %swap3A_362 = tpu.vector_load %arg7[%swap3A_358, %swap3A_359, %swap3A_360, %swap3A_361] {strides = array<i32>} : memref<2x1x200x64xf32, #tpu.memory_space<vmem>>, vector<1x1x1x16xf32>,
        %swap3A_363 = vector.shape_cast %swap3A_362 : vector<1x1x1x16xf32> to vector<16xf32>
        %swap3A_364 = vector.shape_cast %get3A_356 : vector<16xf32> to vector<1x1x1x16xf32>
        tpu.vector_store %arg7[%swap3A_358, %swap3A_359, %swap3A_360, %swap3A_361], %swap3A_364 {strides = array<i32>} : memref<2x1x200x64xf32, #tpu.memory_space<vmem>>, vector<1x1x1x16xf32>,
        %get3A_365 = arith.constant 0 : i32
        %get3A_366 = arith.index_cast %get3A_365 : i32 to index
        %get3A_367 = arith.index_cast %scan3A_351 : i32 to index
        %get3A_368 = arith.constant 16 : index
        %get3A_369 = tpu.vector_load %arg6[%get3A_366, %get3A_367, %get3A_368] {strides = array<i32>} : memref<2x200x128xf32, #tpu.memory_space<vmem>>, vector<1x1x16xf32>,
        %get3A_370 = vector.shape_cast %get3A_369 : vector<1x1x16xf32> to vector<16xf32>
        %swap3A_371 = arith.constant 0 : i32
        %swap3A_372 = arith.constant 0 : i32
        %swap3A_373 = arith.index_cast %swap3A_371 : i32 to index
        %swap3A_374 = arith.index_cast %swap3A_372 : i32 to index
        %swap3A_375 = arith.index_cast %scan3A_351 : i32 to index
        %swap3A_376 = arith.constant 16 : index
        %swap3A_377 = tpu.vector_load %arg7[%swap3A_373, %swap3A_374, %swap3A_375, %swap3A_376] {strides = array<i32>} : memref<2x1x200x64xf32, #tpu.memory_space<vmem>>, vector<1x1x1x16xf32>,
        %swap3A_378 = vector.shape_cast %swap3A_377 : vector<1x1x1x16xf32> to vector<16xf32>
        %swap3A_379 = vector.shape_cast %get3A_370 : vector<16xf32> to vector<1x1x1x16xf32>
        tpu.vector_store %arg7[%swap3A_373, %swap3A_374, %swap3A_375, %swap3A_376], %swap3A_379 {strides = array<i32>} : memref<2x1x200x64xf32, #tpu.memory_space<vmem>>, vector<1x1x1x16xf32>,
        %get3A_380 = arith.constant 0 : i32
        %get3A_381 = arith.index_cast %get3A_380 : i32 to index
        %get3A_382 = arith.index_cast %scan3A_351 : i32 to index
        %get3A_383 = arith.constant 32 : index
        %get3A_384 = tpu.vector_load %arg6[%get3A_381, %get3A_382, %get3A_383] {strides = array<i32>} : memref<2x200x128xf32, #tpu.memory_space<vmem>>, vector<1x1x16xf32>,
        %get3A_385 = vector.shape_cast %get3A_384 : vector<1x1x16xf32> to vector<16xf32>
        %swap3A_386 = arith.constant 0 : i32
        %swap3A_387 = arith.constant 0 : i32
        %swap3A_388 = arith.index_cast %swap3A_386 : i32 to index
        %swap3A_389 = arith.index_cast %swap3A_387 : i32 to index
        %swap3A_390 = arith.index_cast %scan3A_351 : i32 to index
        %swap3A_391 = arith.constant 32 : index
        %swap3A_392 = tpu.vector_load %arg7[%swap3A_388, %swap3A_389, %swap3A_390, %swap3A_391] {strides = array<i32>} : memref<2x1x200x64xf32, #tpu.memory_space<vmem>>, vector<1x1x1x16xf32>,
        %swap3A_393 = vector.shape_cast %swap3A_392 : vector<1x1x1x16xf32> to vector<16xf32>
        %swap3A_394 = vector.shape_cast %get3A_385 : vector<16xf32> to vector<1x1x1x16xf32>
        tpu.vector_store %arg7[%swap3A_388, %swap3A_389, %swap3A_390, %swap3A_391], %swap3A_394 {strides = array<i32>} : memref<2x1x200x64xf32, #tpu.memory_space<vmem>>, vector<1x1x1x16xf32>,
        %get3A_395 = arith.constant 0 : i32
        %get3A_396 = arith.index_cast %get3A_395 : i32 to index
        %get3A_397 = arith.index_cast %scan3A_351 : i32 to index
        %get3A_398 = arith.constant 48 : index
        %get3A_399 = tpu.vector_load %arg6[%get3A_396, %get3A_397, %get3A_398] {strides = array<i32>} : memref<2x200x128xf32, #tpu.memory_space<vmem>>, vector<1x1x16xf32>,
        %get3A_400 = vector.shape_cast %get3A_399 : vector<1x1x16xf32> to vector<16xf32>
        %swap3A_401 = arith.constant 0 : i32
        %swap3A_402 = arith.constant 0 : i32
        %swap3A_403 = arith.index_cast %swap3A_401 : i32 to index
        %swap3A_404 = arith.index_cast %swap3A_402 : i32 to index
        %swap3A_405 = arith.index_cast %scan3A_351 : i32 to index
        %swap3A_406 = arith.constant 48 : index
        %swap3A_407 = tpu.vector_load %arg7[%swap3A_403, %swap3A_404, %swap3A_405, %swap3A_406] {strides = array<i32>} : memref<2x1x200x64xf32, #tpu.memory_space<vmem>>, vector<1x1x1x16xf32>,
        %swap3A_408 = vector.shape_cast %swap3A_407 : vector<1x1x1x16xf32> to vector<16xf32>
        %swap3A_409 = vector.shape_cast %get3A_400 : vector<16xf32> to vector<1x1x1x16xf32>
        tpu.vector_store %arg7[%swap3A_403, %swap3A_404, %swap3A_405, %swap3A_406], %swap3A_409 {strides = array<i32>} : memref<2x1x200x64xf32, #tpu.memory_space<vmem>>, vector<1x1x1x16xf32>,
      }
      %scan3A_271 = arith.constant 200 : i32
      %add3A_272 = arith.addi %mul3A_4, %add3A_176 : i32
      %dma_start3A_273 = arith.constant 0 : i32
      %dma_start3A_274 = arith.constant 0 : i32
      %dma_start3A_275 = arith.constant 0 : i32
      %dma_start3A_276 = arith.constant 0 : i32
      %dma_start3A_277 = tpu.memref_slice %arg7[%dma_start3A_273, %dma_start3A_274, %dma_start3A_275, %dma_start3A_276] : memref<2x1x200x64xf32, #tpu.memory_space<vmem>> -> memref<1x1x200x64xf32, #tpu.memory_space<vmem>>
      %dma_start3A_278 = tpu.memref_squeeze %dma_start3A_277 : memref<1x1x200x64xf32, #tpu.memory_space<vmem>> -> memref<1x200x64xf32, #tpu.memory_space<vmem>>
      %dma_start3A_279 = arith.constant 0 : i32
      %dma_start3A_280 = arith.constant 0 : i32
      %dma_start3A_281 = tpu.memref_slice %arg4[%add3A_272, %dma_start3A_279, %dma_start3A_280] : memref<4096x200x64xf32, #tpu.memory_space<hbm>> -> memref<1x200x64xf32, #tpu.memory_space<hbm>>
      %dma_start3A_282 = arith.constant 0 : i32
      %dma_start3A_283 = arith.constant 0 : i32
      %dma_start3A_284 = tpu.memref_slice %arg4[%add3A_272, %dma_start3A_282, %dma_start3A_283] : memref<4096x200x64xf32, #tpu.memory_space<hbm>> -> memref<1x200x64xf32, #tpu.memory_space<hbm>>
      %dma_start3A_285 = arith.constant 0 : i32
      %dma_start3A_286 = arith.constant 0 : i32
      %dma_start3A_287 = arith.constant 0 : i32
      %dma_start3A_288 = tpu.memref_slice %arg7[%dma_start3A_273, %dma_start3A_285, %dma_start3A_286, %dma_start3A_287] : memref<2x1x200x64xf32, #tpu.memory_space<vmem>> -> memref<1x1x200x64xf32, #tpu.memory_space<vmem>>
      %dma_start3A_289 = tpu.memref_squeeze %dma_start3A_288 : memref<1x1x200x64xf32, #tpu.memory_space<vmem>> -> memref<1x200x64xf32, #tpu.memory_space<vmem>>
      tpu.enqueue_dma source(%dma_start3A_289 : memref<1x200x64xf32, #tpu.memory_space<vmem>>) target(%dma_start3A_284 : memref<1x200x64xf32, #tpu.memory_space<hbm>>) target_semaphore(%arg10 : memref<!tpu.dma_semaphore, #tpu.memory_space<semaphore_mem>>)
      %dma_wait3A_290 = arith.constant 1 : i32
      %dma_wait3A_291 = arith.constant 0 : i32
      %dma_wait3A_292 = arith.constant 0 : i32
      %dma_wait3A_293 = tpu.memref_slice %arg6[%dma_wait3A_290, %dma_wait3A_291, %dma_wait3A_292] : memref<2x200x128xf32, #tpu.memory_space<vmem>> -> memref<1x128x128xf32, #tpu.memory_space<vmem>>
      %dma_wait3A_294 = tpu.memref_squeeze %dma_wait3A_293 : memref<1x128x128xf32, #tpu.memory_space<vmem>> -> memref<128x128xf32, #tpu.memory_space<vmem>>
      %dma_wait3A_295 = tpu.memref_slice %arg5[%add3A_208] : memref<25600xi32, #tpu.memory_space<vmem>> -> memref<128xi32, #tpu.memory_space<vmem>>
      %dma_wait3A_296 = arith.constant 0 : i32
      %dma_wait3A_297 = arith.constant 0 : i32
      %dma_wait3A_298 = tpu.memref_slice %arg2[%dma_wait3A_296, %dma_wait3A_297] : memref<100000x128xf32, #tpu.memory_space<hbm>> -> memref<100000x128xf32, #tpu.memory_space<hbm>>
      tpu.wait_indirect_dma semaphore(%arg9 : memref<!tpu.dma_semaphore, #tpu.memory_space<semaphore_mem>>) src(%dma_wait3A_298 : memref<100000x128xf32, #tpu.memory_space<hbm>>) dst(%dma_wait3A_294 : memref<128x128xf32, #tpu.memory_space<vmem>>)
      %dma_wait3A_299 = arith.constant 1 : i32
      %dma_wait3A_300 = arith.constant 128 : i32
      %dma_wait3A_301 = arith.constant 0 : i32
      %dma_wait3A_302 = tpu.memref_slice %arg6[%dma_wait3A_299, %dma_wait3A_300, %dma_wait3A_301] : memref<2x200x128xf32, #tpu.memory_space<vmem>> -> memref<1x72x128xf32, #tpu.memory_space<vmem>>
      %dma_wait3A_303 = tpu.memref_squeeze %dma_wait3A_302 : memref<1x72x128xf32, #tpu.memory_space<vmem>> -> memref<72x128xf32, #tpu.memory_space<vmem>>
      %dma_wait3A_304 = tpu.memref_slice %arg5[%add3A_221] : memref<25600xi32, #tpu.memory_space<vmem>> -> memref<72xi32, #tpu.memory_space<vmem>>
      %dma_wait3A_305 = arith.constant 0 : i32
      %dma_wait3A_306 = arith.constant 0 : i32
      %dma_wait3A_307 = tpu.memref_slice %arg2[%dma_wait3A_305, %dma_wait3A_306] : memref<100000x128xf32, #tpu.memory_space<hbm>> -> memref<100000x128xf32, #tpu.memory_space<hbm>>
      tpu.wait_indirect_dma semaphore(%arg9 : memref<!tpu.dma_semaphore, #tpu.memory_space<semaphore_mem>>) src(%dma_wait3A_307 : memref<100000x128xf32, #tpu.memory_space<hbm>>) dst(%dma_wait3A_303 : memref<72x128xf32, #tpu.memory_space<vmem>>)
      %dma_wait3A_308 = arith.constant 1 : i32
      %dma_wait3A_309 = arith.constant 0 : i32
      %dma_wait3A_310 = arith.constant 0 : i32
      %dma_wait3A_311 = arith.constant 0 : i32
      %dma_wait3A_312 = tpu.memref_slice %arg7[%dma_wait3A_308, %dma_wait3A_309, %dma_wait3A_310, %dma_wait3A_311] : memref<2x1x200x64xf32, #tpu.memory_space<vmem>> -> memref<1x1x200x64xf32, #tpu.memory_space<vmem>>
      %dma_wait3A_313 = tpu.memref_squeeze %dma_wait3A_312 : memref<1x1x200x64xf32, #tpu.memory_space<vmem>> -> memref<1x200x64xf32, #tpu.memory_space<vmem>>
      %dma_wait3A_314 = arith.constant 0 : i32
      %dma_wait3A_315 = arith.constant 0 : i32
      %dma_wait3A_316 = tpu.memref_slice %arg4[%mul3A_4, %dma_wait3A_314, %dma_wait3A_315] : memref<4096x200x64xf32, #tpu.memory_space<hbm>> -> memref<1x200x64xf32, #tpu.memory_space<hbm>>
      %dma_wait3A_317 = arith.constant 0 : i32
      %dma_wait3A_318 = arith.constant 0 : i32
      %dma_wait3A_319 = tpu.memref_slice %arg4[%mul3A_4, %dma_wait3A_317, %dma_wait3A_318] : memref<4096x200x64xf32, #tpu.memory_space<hbm>> -> memref<1x200x64xf32, #tpu.memory_space<hbm>>
      %dma_wait3A_320 = arith.constant 0 : i32
      %dma_wait3A_321 = arith.constant 0 : i32
      %dma_wait3A_322 = arith.constant 0 : i32
      %dma_wait3A_323 = tpu.memref_slice %arg7[%dma_wait3A_308, %dma_wait3A_320, %dma_wait3A_321, %dma_wait3A_322] : memref<2x1x200x64xf32, #tpu.memory_space<vmem>> -> memref<1x1x200x64xf32, #tpu.memory_space<vmem>>
      %dma_wait3A_324 = tpu.memref_squeeze %dma_wait3A_323 : memref<1x1x200x64xf32, #tpu.memory_space<vmem>> -> memref<1x200x64xf32, #tpu.memory_space<vmem>>
      tpu.wait_dma2 semaphore(%arg11 : memref<!tpu.dma_semaphore, #tpu.memory_space<semaphore_mem>>) src(%dma_wait3A_324 : memref<1x200x64xf32, #tpu.memory_space<vmem>>) dst(%dma_wait3A_319 : memref<1x200x64xf32, #tpu.memory_space<hbm>>)
      %scan3A_325 = arith.constant 0 : i32
      %scan3A_326 = arith.constant 0 : i32
      %scan3A_327 = arith.constant 200 : i32
      %scan3A_328 = arith.addi %scan3A_326, %scan3A_327 : i32
      %scan3A_329 = arith.constant 1 : i32
      scf.for %scan3A_351 = %scan3A_326 to %scan3A_328 step %scan3A_329  : i32 {
        %get3A = arith.constant 1 : i32
        %get3A_352 = arith.index_cast %get3A : i32 to index
        %get3A_353 = arith.index_cast %scan3A_351 : i32 to index
        %get3A_354 = arith.constant 0 : index
        %get3A_355 = tpu.vector_load %arg6[%get3A_352, %get3A_353, %get3A_354] {strides = array<i32>} : memref<2x200x128xf32, #tpu.memory_space<vmem>>, vector<1x1x16xf32>,
        %get3A_356 = vector.shape_cast %get3A_355 : vector<1x1x16xf32> to vector<16xf32>
        %swap3A = arith.constant 1 : i32
        %swap3A_357 = arith.constant 0 : i32
        %swap3A_358 = arith.index_cast %swap3A : i32 to index
        %swap3A_359 = arith.index_cast %swap3A_357 : i32 to index
        %swap3A_360 = arith.index_cast %scan3A_351 : i32 to index
        %swap3A_361 = arith.constant 0 : index
        %swap3A_362 = tpu.vector_load %arg7[%swap3A_358, %swap3A_359, %swap3A_360, %swap3A_361] {strides = array<i32>} : memref<2x1x200x64xf32, #tpu.memory_space<vmem>>, vector<1x1x1x16xf32>,
        %swap3A_363 = vector.shape_cast %swap3A_362 : vector<1x1x1x16xf32> to vector<16xf32>
        %swap3A_364 = vector.shape_cast %get3A_356 : vector<16xf32> to vector<1x1x1x16xf32>
        tpu.vector_store %arg7[%swap3A_358, %swap3A_359, %swap3A_360, %swap3A_361], %swap3A_364 {strides = array<i32>} : memref<2x1x200x64xf32, #tpu.memory_space<vmem>>, vector<1x1x1x16xf32>,
        %get3A_365 = arith.constant 1 : i32
        %get3A_366 = arith.index_cast %get3A_365 : i32 to index
        %get3A_367 = arith.index_cast %scan3A_351 : i32 to index
        %get3A_368 = arith.constant 16 : index
        %get3A_369 = tpu.vector_load %arg6[%get3A_366, %get3A_367, %get3A_368] {strides = array<i32>} : memref<2x200x128xf32, #tpu.memory_space<vmem>>, vector<1x1x16xf32>,
        %get3A_370 = vector.shape_cast %get3A_369 : vector<1x1x16xf32> to vector<16xf32>
        %swap3A_371 = arith.constant 1 : i32
        %swap3A_372 = arith.constant 0 : i32
        %swap3A_373 = arith.index_cast %swap3A_371 : i32 to index
        %swap3A_374 = arith.index_cast %swap3A_372 : i32 to index
        %swap3A_375 = arith.index_cast %scan3A_351 : i32 to index
        %swap3A_376 = arith.constant 16 : index
        %swap3A_377 = tpu.vector_load %arg7[%swap3A_373, %swap3A_374, %swap3A_375, %swap3A_376] {strides = array<i32>} : memref<2x1x200x64xf32, #tpu.memory_space<vmem>>, vector<1x1x1x16xf32>,
        %swap3A_378 = vector.shape_cast %swap3A_377 : vector<1x1x1x16xf32> to vector<16xf32>
        %swap3A_379 = vector.shape_cast %get3A_370 : vector<16xf32> to vector<1x1x1x16xf32>
        tpu.vector_store %arg7[%swap3A_373, %swap3A_374, %swap3A_375, %swap3A_376], %swap3A_379 {strides = array<i32>} : memref<2x1x200x64xf32, #tpu.memory_space<vmem>>, vector<1x1x1x16xf32>,
        %get3A_380 = arith.constant 1 : i32
        %get3A_381 = arith.index_cast %get3A_380 : i32 to index
        %get3A_382 = arith.index_cast %scan3A_351 : i32 to index
        %get3A_383 = arith.constant 32 : index
        %get3A_384 = tpu.vector_load %arg6[%get3A_381, %get3A_382, %get3A_383] {strides = array<i32>} : memref<2x200x128xf32, #tpu.memory_space<vmem>>, vector<1x1x16xf32>,
        %get3A_385 = vector.shape_cast %get3A_384 : vector<1x1x16xf32> to vector<16xf32>
        %swap3A_386 = arith.constant 1 : i32
        %swap3A_387 = arith.constant 0 : i32
        %swap3A_388 = arith.index_cast %swap3A_386 : i32 to index
        %swap3A_389 = arith.index_cast %swap3A_387 : i32 to index
        %swap3A_390 = arith.index_cast %scan3A_351 : i32 to index
        %swap3A_391 = arith.constant 32 : index
        %swap3A_392 = tpu.vector_load %arg7[%swap3A_388, %swap3A_389, %swap3A_390, %swap3A_391] {strides = array<i32>} : memref<2x1x200x64xf32, #tpu.memory_space<vmem>>, vector<1x1x1x16xf32>,
        %swap3A_393 = vector.shape_cast %swap3A_392 : vector<1x1x1x16xf32> to vector<16xf32>
        %swap3A_394 = vector.shape_cast %get3A_385 : vector<16xf32> to vector<1x1x1x16xf32>
        tpu.vector_store %arg7[%swap3A_388, %swap3A_389, %swap3A_390, %swap3A_391], %swap3A_394 {strides = array<i32>} : memref<2x1x200x64xf32, #tpu.memory_space<vmem>>, vector<1x1x1x16xf32>,
        %get3A_395 = arith.constant 1 : i32
        %get3A_396 = arith.index_cast %get3A_395 : i32 to index
        %get3A_397 = arith.index_cast %scan3A_351 : i32 to index
        %get3A_398 = arith.constant 48 : index
        %get3A_399 = tpu.vector_load %arg6[%get3A_396, %get3A_397, %get3A_398] {strides = array<i32>} : memref<2x200x128xf32, #tpu.memory_space<vmem>>, vector<1x1x16xf32>,
        %get3A_400 = vector.shape_cast %get3A_399 : vector<1x1x16xf32> to vector<16xf32>
        %swap3A_401 = arith.constant 1 : i32
        %swap3A_402 = arith.constant 0 : i32
        %swap3A_403 = arith.index_cast %swap3A_401 : i32 to index
        %swap3A_404 = arith.index_cast %swap3A_402 : i32 to index
        %swap3A_405 = arith.index_cast %scan3A_351 : i32 to index
        %swap3A_406 = arith.constant 48 : index
        %swap3A_407 = tpu.vector_load %arg7[%swap3A_403, %swap3A_404, %swap3A_405, %swap3A_406] {strides = array<i32>} : memref<2x1x200x64xf32, #tpu.memory_space<vmem>>, vector<1x1x1x16xf32>,
        %swap3A_408 = vector.shape_cast %swap3A_407 : vector<1x1x1x16xf32> to vector<16xf32>
        %swap3A_409 = vector.shape_cast %get3A_400 : vector<16xf32> to vector<1x1x1x16xf32>
        tpu.vector_store %arg7[%swap3A_403, %swap3A_404, %swap3A_405, %swap3A_406], %swap3A_409 {strides = array<i32>} : memref<2x1x200x64xf32, #tpu.memory_space<vmem>>, vector<1x1x1x16xf32>,
      }
      %scan3A_330 = arith.constant 200 : i32
      %add3A_331 = arith.constant 1 : i32
      %add3A_332 = arith.addi %add3A_176, %add3A_331 : i32
      %add3A_333 = arith.addi %mul3A_4, %add3A_332 : i32
      %dma_start3A_334 = arith.constant 1 : i32
      %dma_start3A_335 = arith.constant 0 : i32
      %dma_start3A_336 = arith.constant 0 : i32
      %dma_start3A_337 = arith.constant 0 : i32
      %dma_start3A_338 = tpu.memref_slice %arg7[%dma_start3A_334, %dma_start3A_335, %dma_start3A_336, %dma_start3A_337] : memref<2x1x200x64xf32, #tpu.memory_space<vmem>> -> memref<1x1x200x64xf32, #tpu.memory_space<vmem>>
      %dma_start3A_339 = tpu.memref_squeeze %dma_start3A_338 : memref<1x1x200x64xf32, #tpu.memory_space<vmem>> -> memref<1x200x64xf32, #tpu.memory_space<vmem>>
      %dma_start3A_340 = arith.constant 0 : i32
      %dma_start3A_341 = arith.constant 0 : i32
      %dma_start3A_342 = tpu.memref_slice %arg4[%add3A_333, %dma_start3A_340, %dma_start3A_341] : memref<4096x200x64xf32, #tpu.memory_space<hbm>> -> memref<1x200x64xf32, #tpu.memory_space<hbm>>
      %dma_start3A_343 = arith.constant 0 : i32
      %dma_start3A_344 = arith.constant 0 : i32
      %dma_start3A_345 = tpu.memref_slice %arg4[%add3A_333, %dma_start3A_343, %dma_start3A_344] : memref<4096x200x64xf32, #tpu.memory_space<hbm>> -> memref<1x200x64xf32, #tpu.memory_space<hbm>>
      %dma_start3A_346 = arith.constant 0 : i32
      %dma_start3A_347 = arith.constant 0 : i32
      %dma_start3A_348 = arith.constant 0 : i32
      %dma_start3A_349 = tpu.memref_slice %arg7[%dma_start3A_334, %dma_start3A_346, %dma_start3A_347, %dma_start3A_348] : memref<2x1x200x64xf32, #tpu.memory_space<vmem>> -> memref<1x1x200x64xf32, #tpu.memory_space<vmem>>
      %dma_start3A_350 = tpu.memref_squeeze %dma_start3A_349 : memref<1x1x200x64xf32, #tpu.memory_space<vmem>> -> memref<1x200x64xf32, #tpu.memory_space<vmem>>
      tpu.enqueue_dma source(%dma_start3A_350 : memref<1x200x64xf32, #tpu.memory_space<vmem>>) target(%dma_start3A_345 : memref<1x200x64xf32, #tpu.memory_space<hbm>>) target_semaphore(%arg11 : memref<!tpu.dma_semaphore, #tpu.memory_space<semaphore_mem>>)
    }
    %scan3A_137 = arith.constant 63 : i32
    %dma_wait3A_138 = arith.constant 0 : i32
    %dma_wait3A_139 = arith.constant 0 : i32
    %dma_wait3A_140 = arith.constant 0 : i32
    %dma_wait3A_141 = arith.constant 0 : i32
    %dma_wait3A_142 = tpu.memref_slice %arg7[%dma_wait3A_138, %dma_wait3A_139, %dma_wait3A_140, %dma_wait3A_141] : memref<2x1x200x64xf32, #tpu.memory_space<vmem>> -> memref<1x1x200x64xf32, #tpu.memory_space<vmem>>
    %dma_wait3A_143 = tpu.memref_squeeze %dma_wait3A_142 : memref<1x1x200x64xf32, #tpu.memory_space<vmem>> -> memref<1x200x64xf32, #tpu.memory_space<vmem>>
    %dma_wait3A_144 = arith.constant 0 : i32
    %dma_wait3A_145 = arith.constant 0 : i32
    %dma_wait3A_146 = tpu.memref_slice %arg4[%mul3A_4, %dma_wait3A_144, %dma_wait3A_145] : memref<4096x200x64xf32, #tpu.memory_space<hbm>> -> memref<1x200x64xf32, #tpu.memory_space<hbm>>
    %dma_wait3A_147 = arith.constant 0 : i32
    %dma_wait3A_148 = arith.constant 0 : i32
    %dma_wait3A_149 = tpu.memref_slice %arg4[%mul3A_4, %dma_wait3A_147, %dma_wait3A_148] : memref<4096x200x64xf32, #tpu.memory_space<hbm>> -> memref<1x200x64xf32, #tpu.memory_space<hbm>>
    %dma_wait3A_150 = arith.constant 0 : i32
    %dma_wait3A_151 = arith.constant 0 : i32
    %dma_wait3A_152 = arith.constant 0 : i32
    %dma_wait3A_153 = tpu.memref_slice %arg7[%dma_wait3A_138, %dma_wait3A_150, %dma_wait3A_151, %dma_wait3A_152] : memref<2x1x200x64xf32, #tpu.memory_space<vmem>> -> memref<1x1x200x64xf32, #tpu.memory_space<vmem>>
    %dma_wait3A_154 = tpu.memref_squeeze %dma_wait3A_153 : memref<1x1x200x64xf32, #tpu.memory_space<vmem>> -> memref<1x200x64xf32, #tpu.memory_space<vmem>>
    tpu.wait_dma2 semaphore(%arg10 : memref<!tpu.dma_semaphore, #tpu.memory_space<semaphore_mem>>) src(%dma_wait3A_154 : memref<1x200x64xf32, #tpu.memory_space<vmem>>) dst(%dma_wait3A_149 : memref<1x200x64xf32, #tpu.memory_space<hbm>>)
    %dma_wait3A_155 = arith.constant 1 : i32
    %dma_wait3A_156 = arith.constant 0 : i32
    %dma_wait3A_157 = arith.constant 0 : i32
    %dma_wait3A_158 = arith.constant 0 : i32
    %dma_wait3A_159 = tpu.memref_slice %arg7[%dma_wait3A_155, %dma_wait3A_156, %dma_wait3A_157, %dma_wait3A_158] : memref<2x1x200x64xf32, #tpu.memory_space<vmem>> -> memref<1x1x200x64xf32, #tpu.memory_space<vmem>>
    %dma_wait3A_160 = tpu.memref_squeeze %dma_wait3A_159 : memref<1x1x200x64xf32, #tpu.memory_space<vmem>> -> memref<1x200x64xf32, #tpu.memory_space<vmem>>
    %dma_wait3A_161 = arith.constant 0 : i32
    %dma_wait3A_162 = arith.constant 0 : i32
    %dma_wait3A_163 = tpu.memref_slice %arg4[%mul3A_4, %dma_wait3A_161, %dma_wait3A_162] : memref<4096x200x64xf32, #tpu.memory_space<hbm>> -> memref<1x200x64xf32, #tpu.memory_space<hbm>>
    %dma_wait3A_164 = arith.constant 0 : i32
    %dma_wait3A_165 = arith.constant 0 : i32
    %dma_wait3A_166 = tpu.memref_slice %arg4[%mul3A_4, %dma_wait3A_164, %dma_wait3A_165] : memref<4096x200x64xf32, #tpu.memory_space<hbm>> -> memref<1x200x64xf32, #tpu.memory_space<hbm>>
    %dma_wait3A_167 = arith.constant 0 : i32
    %dma_wait3A_168 = arith.constant 0 : i32
    %dma_wait3A_169 = arith.constant 0 : i32
    %dma_wait3A_170 = tpu.memref_slice %arg7[%dma_wait3A_155, %dma_wait3A_167, %dma_wait3A_168, %dma_wait3A_169] : memref<2x1x200x64xf32, #tpu.memory_space<vmem>> -> memref<1x1x200x64xf32, #tpu.memory_space<vmem>>
    %dma_wait3A_171 = tpu.memref_squeeze %dma_wait3A_170 : memref<1x1x200x64xf32, #tpu.memory_space<vmem>> -> memref<1x200x64xf32, #tpu.memory_space<vmem>>
    tpu.wait_dma2 semaphore(%arg11 : memref<!tpu.dma_semaphore, #tpu.memory_space<semaphore_mem>>) src(%dma_wait3A_171 : memref<1x200x64xf32, #tpu.memory_space<vmem>>) dst(%dma_wait3A_166 : memref<1x200x64xf32, #tpu.memory_space<hbm>>)
    return
  }
}

</mosaic_0001>

<sc_bundles>
// kernel: _gather_native.3.cloned.1.call-start
scs
__scs_entry_jumppad:
0x0: {  	(pc) =	sbr.rel $0x88, $3  }
0x1: {  	(tag) =	ssettag $0x0;
	lr =	simm.s32 $0x1  }
0x2: {  	[smem:$0x3F9F] =	sst lr;
	_ =	strace $0xD0000000  }
0x3: {  	_ = 	snop  }
0x4: {  	_ = 	snop  }
0x5: {  	_ = 	snop  }
0x6: {  	_ = 	snop  }
0x7: {  	_ = 	snop  }
__scs_overlays_trampoline_lowered:
0x8: {  	[smem:$0x3FAE] =	sst s0  }
0x9: {  	[smem:$0x3FAF] =	sst s1  }
0xa: {  	[smem:$0x3FB0] =	sst s2  }
0xb: {  	[smem:$0x3FB1] =	sst s3  }
0xc: {  	[smem:$0x3FB2] =	sst s4  }
0xd: {  	[smem:$0x3FB3] =	sst s5  }
0xe: {  	[smem:$0x3FB4] =	sst s6  }
0xf: {  	[smem:$0x3FB5] =	sst s7  }
0x10: {  	[smem:$0x3FB6] =	sst s8  }
0x11: {  	[smem:$0x3FB7] =	sst s9;
	s0 =	simm.s32 @!p0 $0x0  }
0x12: {  	s1 =	sld [smem:$0x3F9D];
	s0 =	simm.s32 @p0 $0x1  }
0x13: {  	[smem:$0x3FB8] =	sst s0;
	s0 =	simm.s32 @!p1 $0x0  }
0x14: {  	s2 =	sld [smem:$0x3F9C];
	s0 =	simm.s32 @p1 $0x1  }
0x15: {  	[smem:$0x3FB9] =	sst s0;
	s0 =	simm.s32 @!p2 $0x0  }
0x16: {  	s3 =	sld [smem:$0x3FDB];
	s0 =	simm.s32 @p2 $0x1  }
0x17: {  	s4 =	simm.s32 $0x1BF5;
	[smem:$0x3FBB] =	sst s0  }
0x18: {  	s0 =	sld [smem:$0x3F9E];
	_ =	swait.ge [sflag:s4], $0x0  }
0x19: {  	s7 =	sld [smem:$0x3F9F]  }
0x1a: {  	s8 =	sadd.s32 $0xFFFFE003, lr  }
0x1b: {  	s9 =	sadd.s32 $0xFFFFFEF7, lr;
	s5 =	simm.s32 $0xFFFFFFFF;
	p2 =	slt.u32 s8, $0xFFFFF086  }
0x1c: {  	p1 =	slt.u32 s9, $0xF7A;
	s5 =	simm.s32 @!p2 $0x0  }
0x1d: {  	s5 =	simm.s32 @p1 $0x1;
	p0 =	seq.s32 s7, s2  }
0x1e: {  	s7 =	smul.u32 @!p0 $0xF7A, s2;
	p2 =	seq.s32 @!p0 s5, $0x0  }
0x1f: {  	s9 =	smul.u32 $0xF7A, s1;
	s8 =	simm.s32 @!p0 $0x1BF5;
	p2 =	por !p2, p0  }
0x20: {  	[sflag:s8] =	ssyncset.s32 @!p0 $0xFFFFF086;
	s6 =	sadd.s32 @!p0 s3, s7;
	s7 =	simm.s32 @!p0 $0x108  }
0x21: {  	s3 =	sadd.s32 s3, s9;
	s6 =	sadd.s32 @!p0 $0x88, s6;
	s7 =	simm.s32 @p2 $0x1082  }
0x22: {  	[simem:s7], [sflag:s8] =	dma.local @!p0 [hbm:s6], $0xF7A  }
0x23: {  	s9 =	sor.u32 $0xD0000000, s2;
	s6 =	simm.s32 $0x108;
	_ =	swait.ge @!p0 [sflag:s8], $0x0  }
0x24: {  	s3 =	sadd.s32 $0x88, s3;
	s6 =	simm.s32 @!p1 $0x1082;
	[sflag:s4] =	ssyncset.s32 $0xFFFFF086  }
0x25: {  	[simem:s6], [sflag:s4] =	dma.local [hbm:s3], $0xF7A  }
0x26: {  	[smem:$0x3F9F] =	sst s1;
	(tag) =	ssettag s2;
	_ =	strace s9  }
0x27: {  	s1 =	sld [smem:$0x3FAF]  }
0x28: {  	s2 =	sld [smem:$0x3FB0]  }
0x29: {  	s4 =	sld [smem:$0x3FB2]  }
0x2a: {  	p0 =	seq.s32 s5, $0x0;
	s5 =	sld [smem:$0x3FB3]  }
0x2b: {  	s6 =	sld [smem:$0x3FB4]  }
0x2c: {  	s7 =	sld [smem:$0x3FB5]  }
0x2d: {  	s3 =	simm.s32 $0x108;
	s8 =	sld [smem:$0x3FB6]  }
0x2e: {  	s3 =	simm.s32 @!p0 $0x1082;
	s9 =	sld [smem:$0x3FB7]  }
0x2f: {  	lr =	sadd.s32 s0, s3;
	s0 =	sld [smem:$0x3FAE]  }
0x30: {  	s3 =	sld [smem:$0x3FB1]  }
0x31: {  	[smem:$0x3FBA] =	sst s10  }
0x32: {  	s10 =	sld [smem:$0x3FB8];
	_ =	sdelay $0x3  }
0x33: {  	p0 =	seq.s32 s10, $0x1;
	s10 =	sld [smem:$0x3FBA];
	_ =	sdelay $0x3  }
0x34: {  	[smem:$0x3FBA] =	sst s10  }
0x35: {  	s10 =	sld [smem:$0x3FB9];
	_ =	sdelay $0x3  }
0x36: {  	p1 =	seq.s32 s10, $0x1;
	s10 =	sld [smem:$0x3FBA];
	_ =	sdelay $0x3  }
0x37: {  	[smem:$0x3FBA] =	sst s10  }
0x38: {  	s10 =	sld [smem:$0x3FBB]  }
0x39: {  	_ = 	snop;
	(pc) =	sbr.ind lr, $3  }
0x3a: {  	_ = 	snop  }
0x3b: {  	_ = 	snop  }
0x3c: {  	p2 =	seq.s32 s10, $0x1;
	s10 =	sld [smem:$0x3FBA]  }
0x3d: {  	_ =	shalt  }
0x3e: {  	_ =	shalt  }
0x3f: {  	_ =	shalt  }
0x40: {  	_ =	shalt  }
0x41: {  	_ =	shalt  }
0x42: {  	_ =	shalt  }
0x43: {  	_ =	shalt  }
0x44: {  	_ =	shalt  }
0x45: {  	_ =	shalt  }
0x46: {  	_ =	shalt  }
0x47: {  	_ =	shalt  }
0x48: {  	_ =	shalt  }
0x49: {  	_ =	shalt  }
0x4a: {  	_ =	shalt  }
0x4b: {  	_ =	shalt  }
0x4c: {  	_ =	shalt  }
0x4d: {  	_ =	shalt  }
0x4e: {  	_ =	shalt  }
0x4f: {  	_ =	shalt  }
0x50: {  	_ =	shalt  }
0x51: {  	_ =	shalt  }
0x52: {  	_ =	shalt  }
0x53: {  	_ =	shalt  }
0x54: {  	_ =	shalt  }
0x55: {  	_ =	shalt  }
0x56: {  	_ =	shalt  }
0x57: {  	_ =	shalt  }
0x58: {  	_ =	shalt  }
0x59: {  	_ =	shalt  }
0x5a: {  	_ =	shalt  }
0x5b: {  	_ =	shalt  }
0x5c: {  	_ =	shalt  }
0x5d: {  	_ =	shalt  }
0x5e: {  	_ =	shalt  }
0x5f: {  	_ =	shalt  }
0x60: {  	_ =	shalt  }
0x61: {  	_ =	shalt  }
0x62: {  	_ =	shalt  }
0x63: {  	_ =	shalt  }
0x64: {  	_ =	shalt  }
0x65: {  	_ =	shalt  }
0x66: {  	_ =	shalt  }
0x67: {  	_ =	shalt  }
0x68: {  	_ =	shalt  }
0x69: {  	_ =	shalt  }
0x6a: {  	_ =	shalt  }
0x6b: {  	_ =	shalt  }
0x6c: {  	_ =	shalt  }
0x6d: {  	_ =	shalt  }
0x6e: {  	_ =	shalt  }
0x6f: {  	_ =	shalt  }
0x70: {  	_ =	shalt  }
0x71: {  	_ =	shalt  }
0x72: {  	_ =	shalt  }
0x73: {  	_ =	shalt  }
0x74: {  	_ =	shalt  }
0x75: {  	_ =	shalt  }
0x76: {  	_ =	shalt  }
0x77: {  	_ =	shalt  }
0x78: {  	_ =	shalt  }
0x79: {  	_ =	shalt  }
0x7a: {  	_ =	shalt  }
0x7b: {  	_ =	shalt  }
0x7c: {  	_ =	shalt  }
0x7d: {  	_ =	shalt  }
0x7e: {  	_ =	shalt  }
0x7f: {  	_ =	shalt  }
0x80: {  	_ =	shalt  }
0x81: {  	_ =	shalt  }
0x82: {  	_ =	shalt  }
0x83: {  	_ =	shalt  }
0x84: {  	_ =	shalt  }
0x85: {  	_ =	shalt  }
0x86: {  	_ =	shalt  }
0x87: {  	_ =	shalt  }
.Lfunc_end0:
.L_simem_size_0:
called_computation_lowered:
.L_overlay_start_0:
0x88: {  	s2 =	sld [smem:$0x3FD9]  }
0x89: {  	s3 =	sld [smem:$0x3FFE];
	_ =	sdelay $0x1  }
0x8a: {  	s1 =	srdreg.scid  }
0x8b: {  	s0 =	sand.u32 $0x1, s1  }
0x8c: {  	s17 =	sshll.u32 s0, $0xA;
	s2 =	sadd.s32 s3, s2  }
0x8d: {  	s2 =	sadd.s32 s2, s17  }
0x8e: {  	[smem:$0x3FC6] =	sst s2  }
0x8f: {  	_ = 	snop  }
0x90: {  	s2 =	sld [smem:$0x3FC9]  }
0x91: {  	s18 =	sld [smem:$0x3FC8];
	(tm) =	ssettm $0x1  }
0x92: {  	s4 =	sld [smem:$0x3FFB];
	_ =	sdelay $0x3  }
0x93: {  	_ =	strace s4  }
0x94: {  	s4 =	sld [smem:$0x3FFC];
	_ =	sdelay $0x3  }
0x95: {  	_ =	strace s4  }
0x96: {  	s4 =	sld [smem:$0x3FFD];
	_ =	sdelay $0x3  }
0x97: {  	_ =	strace s4  }
0x98: {  	_ =	strace $0x8FFFFFFF  }
0x99: {  	s19 =	sld [smem:$0x3FDB];
	_ =	sdelay $0x1  }
0x9a: {  	s5 =	simm.s32 $_scs_section_size  }
0x9b: {  	s6 =	simm.s32 $_size__tile_overlayer_lowered;
	s7 =	simm.s32 $_tile_overlayer_lowered  }
0x9c: {  	s22 =	simm.s32 $0x1BFF;
	s21 =	sshll.u32 s7, $0x1;
	s4 =	sadd.s32 s5, s19  }
0x9d: {  	s8 =	simm.s32 $0x0;
	s20 =	sshll.u32 s6, $0x1;
	s6 =	sadd.s32 s21, s4  }
0x9e: {  	[timem:s8], [sflag:s22] =	dma.local [hbm:s6], s20  }
0x9f: {  	_ =	swait.ge [sflag:s22], s20  }
0xa0: {  	s5 =	ssub.s32 $0x0, s20;
	[sflag:s22] =	ssyncset.done $0x0  }
0xa1: {  	[sflag:s22] =	ssyncadd.s32 s5;
	_ =	sdelay $0x1  }
0xa2: {  	s23 =	simm.s32 $0x1B8B  }
0xa3: {  	_ =	swait.ge [sflag:s23], $0x1  }
0xa4: {  	[sflag:s23] =	ssyncset.done $0x0  }
0xa5: {  	s25 =	simm.s32 $0x1B8E;
	s24 =	sld [smem:$0x3FFE];
	[sflag:s23] =	ssyncadd.s32 $0xFFFFFFFF  }
0xa6: {  	s26 =	simm.s32 $execute0_lowered;
	[smem:$0x3FD2] =	sst s25  }
0xa7: {  	s6 =	sshll.u32 s26, $0x1;
	_ =	strace $0x80000046;
	[dreg:$0x1] =	wrdreg $0xFFFFFFFF  }
0xa8: {  	s28 =	simm.s32 $_size_execute0_lowered;
	s4 =	sadd.s32 s4, s6;
	[dreg:$0x0] =	wrdreg $0x0  }
0xa9: {  	s6 =	sshll.u32 s28, $0x1;
	[dreg:$0x2] =	wrdreg s4  }
0xaa: {  	[dreg:$0x3] =	wrdreg s6  }
0xab: {  	[dreg:$0x4] =	wrdreg $0xC0  }
0xac: {  	_ =	task [dreg:s8], $0x5FFFF  }
0xad: {  	[dreg:$0x1] =	wrdreg $0xFFFFFFFF  }
0xae: {  	[dreg:$0x0] =	wrdreg $0x60  }
0xaf: {  	[dreg:$0x2] =	wrdreg s18  }
0xb0: {  	[dreg:$0x3] =	wrdreg s2  }
0xb1: {  	[dreg:$0x4] =	wrdreg s24  }
0xb2: {  	[dreg:$0x5] =	wrdreg $0x9  }
0xb3: {  	_ =	task.clear_ibuf [dreg:s8], $0x6FFFF;
	_ =	strace $0x90000046  }
0xb4: {  	s29 =	simm.s32 $0x9;
	_ =	strace $0x80000048  }
0xb5: {  	_ =	swait.ge [sflag:s29], $0x1  }
0xb6: {  	[sflag:s29] =	ssyncadd.s32 $0xFFFFFFFF  }
0xb7: {  	_ =	strace $0x90000048  }
0xb8: {  	_ =	sfence  }
0xb9: {  	s30 =	sld [smem:$0x0];
	_ =	sdelay $0x2  }
0xba: {  	s31 =	sshll.u32 s1, $0xD;
	s1 =	sshrl.u32 s1, $0x2  }
0xbb: {  	s3 =	sand.u32 $0x4000, s31;
	s1 =	sadd.s32 s1, s30  }
0xbc: {  	s0 =	sor.u32 s3, s0;
	s1 =	sshll.u32 s1, $0x11  }
0xbd: {  	s0 =	sor.u32 s1, s0  }
0xbe: {  	s0 =	sadd.s32 $0x8F2B, s0  }
0xbf: {  	[sflag:s0] =	ssyncadd.remote.s32 $0x1  }
0xc0: {  	_ =	sfence.sel $0xFFFF  }
0xc1: {  	[dreg:$0x0] =	wrdreg $0xFFFFFFFF;
	(pc) =	sbr.abs _section_cstart, $3  }
0xc2: {  	[dreg:$0x1] =	wrdreg $0xFFFFFFFF  }
0xc3: {  	_ =	task.clear_ibuf [dreg:s8], $0x2FFFF;
	_ =	strace $0x9FFFFFFF  }
0xc4: {  	(tm) =	ssettm $0x7FFFFFFF  }
0xc5: {  	_ =	shalt  }
tec
execute0_lowered:
.L_overlay_start_1:
0x0: {  	(tag) =	ssettag $0x1  }
0x1: {  	s1 =	rddreg [dreg:$0x0]  }
0x2: {  	s6 =	rddreg [dreg:$0x1];
	s2 =	srdreg.scid  }
0x3: {  	s0 =	stileid.u32;
	s4 =	rddreg [dreg:$0x2]  }
0x4: {  	s11 =	simm.s32 $0x80;
	s12 =	simm.s32 $0x6400;
	s13 =	simm.s32 $0x48  }
0x5: {  	s14 =	simm.s32 $0xA400;
	s15 =	simm.s32 $0xC8;
	s16 =	simm.s32 $0xC800  }
0x6: {  	s17 =	simm.s32 $0x148;
	s18 =	simm.s32 $0x10800;
	s19 =	simm.s32 $0x1  }
0x7: {  	s20 =	simm.s32 $0x12C00;
	s21 =	simm.s32 $0x2;
	s22 =	simm.s32 $0x19000  }
0x8: {  	s23 =	simm.s32 $0x3;
	s5 =	sand.u32 $0x1, s2;
	s3 =	sshll.u32 s0, $0x1  }
0x9: {  	s24 =	simm.s32 $0x4;
	s25 =	simm.s32 $0x0;
	s7 =	sor.u32 s5, s3  }
0xa: {  	s3 =	simm.s32 $0x0;
	s5 =	ssub.s32 $0x2, s5;
	s8 =	smul.u32 $0xC80, s7  }
0xb: {  	[smem:$0x7FF] =	sst s3;
	s9 =	sshrl.u32 s5, $0x1;
	s10 =	smul.u32 $0x64000, s7  }
0xc: {  	s4 =	sadd.s32 $0x400, s4;
	_ =	strace $0x80000047;
	s9 =	ssub.s32 s5, s9  }
0xd: {  	s5 =	sshll.u32 s7, $0x7;
	s6 =	sadd.s32 s6, s8;
	s7 =	sadd.s32 s4, s10  }
0xe: {  	s9 =	smax.u32 s9, $0x1;
	s10 =	simm.s32 $0x5;
	s8 =	sadd.s32 $0xC80, s7  }
.LBB2_1:
0xf: {  	[tilespmem:s3], [sflag:$0x5] =	stream.linear.gather [hbm4b:s6+s3], $0x6400, $0x38;
	[tilespmem:$0x1F400] =	vst v63  }
0x10: {  	_ =	swait.ge [sflag:s10], $0x6400  }
0x11: {  	[sflag:s10] =	ssyncset.done $0x0  }
0x12: {  	[sflag:s10] =	ssyncadd.s32 $0xFFFF9C00  }
0x13: {  	[tilespmem:s12], [sflag:$0x1] =	stream.indirect.gather [hbm4b:s1+s11], $0x80, s3, s11, $0xb8;
	[tilespmem:$0x1F400] =	vst v63  }
0x14: {  	_ = 	snop  }
0x15: {  	[tilespmem:s14], [sflag:$0x1] =	stream.indirect.gather [hbm4b:s1+s13], $0x80, s11, s13, $0xb8;
	[tilespmem:$0x1F400] =	vst v63  }
0x16: {  	_ = 	snop  }
0x17: {  	[tilespmem:s16], [sflag:$0x2] =	stream.indirect.gather [hbm4b:s1+s11], $0x80, s15, s11, $0xb8;
	[tilespmem:$0x1F400] =	vst v63  }
0x18: {  	_ = 	snop  }
0x19: {  	[tilespmem:s18], [sflag:$0x2] =	stream.indirect.gather [hbm4b:s1+s13], $0x80, s17, s13, $0xb8;
	[tilespmem:$0x1F400] =	vst v63  }
0x1a: {  	_ =	swait.ge [sflag:s19], $0x4000  }
0x1b: {  	[sflag:s19] =	ssyncset.done $0x0  }
0x1c: {  	[sflag:s19] =	ssyncadd.s32 $0xFFFFC000  }
0x1d: {  	_ =	swait.ge [sflag:s19], $0x2400  }
0x1e: {  	[sflag:s19] =	ssyncset.done $0x0  }
0x1f: {  	s26 =	simm.s32 $0x0;
	[sflag:s19] =	ssyncadd.s32 $0xFFFFDC00  }
0x20: {  	v0 =	vld [tilespmem:s26+$0x6430]  }
0x21: {  	v1 =	vld [tilespmem:s26+$0x6400]  }
0x22: {  	v2 =	vld [tilespmem:s26+$0x6410]  }
0x23: {  	s28 =	simm.s32 $0x200;
	v3 =	vld [tilespmem:s26+$0x6420]  }
.LBB2_2:
0x24: {  	p0 =	sne.s32 s28, $0x18E00  }
.Ltmp0:
0x25: {  	s29 =	sshra.s32 s28, $0x2;
	s28 =	sadd.s32 $0x200, s28;
	[tilespmem:s26+$0x12C30] =	vst v0;
	(pc) =	sbr.rel @p0 .LBB2_2-.Ltmp0, $4  }
0x26: {  	v0 =	vld [tilespmem:s29+$0x6430];
	[tilespmem:s26+$0x12C00] =	vst v1  }
0x27: {  	v1 =	vld [tilespmem:s29+$0x6400];
	[tilespmem:s26+$0x12C10] =	vst v2  }
0x28: {  	v2 =	vld [tilespmem:s29+$0x6410];
	[tilespmem:s26+$0x12C20] =	vst v3;
	s26 =	smov.u32 s29  }
0x29: {  	v3 =	vld [tilespmem:s26+$0x6420]  }
0x2a: {  	_ = 	snop  }
0x2b: {  	[tilespmem:s26+$0x12C30] =	vst v0  }
0x2c: {  	[tilespmem:s26+$0x12C00] =	vst v1  }
0x2d: {  	[tilespmem:s26+$0x12C10] =	vst v2  }
0x2e: {  	s31 =	simm.s32 $0x0;
	[tilespmem:s26+$0x12C20] =	vst v3  }
0x2f: {  	[hbm4b:s7+s31] =	stream.linear.scatter [tilespmem:s20], [sflag:$0x3], $0x6400, $0x38;
	[tilespmem:$0x1F400] =	vst v63  }
0x30: {  	_ =	swait.ge [sflag:s21], $0x4000  }
0x31: {  	[sflag:s21] =	ssyncset.done $0x0  }
0x32: {  	[sflag:s21] =	ssyncadd.s32 $0xFFFFC000  }
0x33: {  	_ =	swait.ge [sflag:s21], $0x2400  }
0x34: {  	[sflag:s21] =	ssyncset.done $0x0  }
0x35: {  	s26 =	simm.s32 $0x0;
	[sflag:s21] =	ssyncadd.s32 $0xFFFFDC00  }
0x36: {  	v0 =	vld [tilespmem:s26+$0xC830]  }
0x37: {  	v1 =	vld [tilespmem:s26+$0xC800]  }
0x38: {  	v2 =	vld [tilespmem:s26+$0xC810]  }
0x39: {  	s28 =	simm.s32 $0x200;
	v3 =	vld [tilespmem:s26+$0xC820]  }
.LBB2_4:
0x3a: {  	p0 =	sne.s32 s28, $0x18E00  }
.Ltmp1:
0x3b: {  	s29 =	sshra.s32 s28, $0x2;
	s28 =	sadd.s32 $0x200, s28;
	[tilespmem:s26+$0x19030] =	vst v0;
	(pc) =	sbr.rel @p0 .LBB2_4-.Ltmp1, $4  }
0x3c: {  	v0 =	vld [tilespmem:s29+$0xC830];
	[tilespmem:s26+$0x19000] =	vst v1  }
0x3d: {  	v1 =	vld [tilespmem:s29+$0xC800];
	[tilespmem:s26+$0x19010] =	vst v2  }
0x3e: {  	v2 =	vld [tilespmem:s29+$0xC810];
	[tilespmem:s26+$0x19020] =	vst v3;
	s26 =	smov.u32 s29  }
0x3f: {  	v3 =	vld [tilespmem:s26+$0xC820]  }
0x40: {  	_ = 	snop  }
0x41: {  	[tilespmem:s26+$0x19030] =	vst v0  }
0x42: {  	[tilespmem:s26+$0x19000] =	vst v1  }
0x43: {  	[tilespmem:s26+$0x19010] =	vst v2  }
0x44: {  	[tilespmem:s26+$0x19020] =	vst v3;
	s26 =	simm.s32 $0x0  }
0x45: {  	[hbm4b:s8+s26] =	stream.linear.scatter [tilespmem:s22], [sflag:$0x4], $0x6400, $0x38;
	[tilespmem:$0x1F400] =	vst v63  }
.LBB2_6:
0x46: {  	s28 =	sshll.u32 s26, $0x1  }
0x47: {  	s29 =	sadd.s32 $0x2, s28  }
0x48: {  	s30 =	smul.u32 $0x320, s29;
	_ =	sdelay $0x1  }
0x49: {  	s30 =	sshra.s32 s30, $0x2  }
0x4a: {  	[tilespmem:s12], [sflag:$0x1] =	stream.indirect.gather [hbm4b:s1+s11], $0x80, s30, s11, $0xb8;
	[tilespmem:$0x1F400] =	vst v63  }
0x4b: {  	s31 =	smul.u32 $0x640, s26;
	s30 =	sadd.s32 $0x80, s30  }
0x4c: {  	[tilespmem:s14], [sflag:$0x1] =	stream.indirect.gather [hbm4b:s1+s13], $0x80, s30, s13, $0xb8;
	[tilespmem:$0x1F400] =	vst v63  }
0x4d: {  	s30 =	sadd.s32 $0x960, s31  }
0x4e: {  	s30 =	sshra.s32 s30, $0x2  }
0x4f: {  	[tilespmem:s16], [sflag:$0x2] =	stream.indirect.gather [hbm4b:s1+s11], $0x80, s30, s11, $0xb8;
	[tilespmem:$0x1F400] =	vst v63  }
0x50: {  	s30 =	sadd.s32 $0x80, s30  }
0x51: {  	[tilespmem:s18], [sflag:$0x2] =	stream.indirect.gather [hbm4b:s1+s13], $0x80, s30, s13, $0xb8;
	[tilespmem:$0x1F400] =	vst v63  }
0x52: {  	_ =	swait.ge [sflag:s19], $0x4000  }
0x53: {  	[sflag:s19] =	ssyncset.done $0x0  }
0x54: {  	[sflag:s19] =	ssyncadd.s32 $0xFFFFC000  }
0x55: {  	_ =	swait.ge [sflag:s19], $0x2400  }
0x56: {  	[sflag:s19] =	ssyncset.done $0x0  }
0x57: {  	[sflag:s19] =	ssyncadd.s32 $0xFFFFDC00  }
0x58: {  	_ =	swait.ge [sflag:s23], $0x6400  }
0x59: {  	[sflag:s23] =	ssyncset.done $0x0  }
0x5a: {  	s30 =	simm.s32 $0x0;
	[sflag:s23] =	ssyncadd.s32 $0xFFFF9C00  }
0x5b: {  	v2 =	vld [tilespmem:s30+$0x6430]  }
0x5c: {  	v1 =	vld [tilespmem:s30+$0x6400]  }
0x5d: {  	v0 =	vld [tilespmem:s30+$0x6410]  }
0x5e: {  	s28 =	sadd.s32 $0x3, s28;
	s31 =	simm.s32 $0x200;
	v3 =	vld [tilespmem:s30+$0x6420]  }
.LBB2_7:
0x5f: {  	p0 =	sne.s32 s31, $0x18E00  }
.Ltmp2:
0x60: {  	s2 =	sshra.s32 s31, $0x2;
	s31 =	sadd.s32 $0x200, s31;
	[tilespmem:s30+$0x12C30] =	vst v2;
	(pc) =	sbr.rel @p0 .LBB2_7-.Ltmp2, $4  }
0x61: {  	v2 =	vld [tilespmem:s2+$0x6430];
	[tilespmem:s30+$0x12C00] =	vst v1  }
0x62: {  	v1 =	vld [tilespmem:s2+$0x6400];
	[tilespmem:s30+$0x12C10] =	vst v0  }
0x63: {  	v0 =	vld [tilespmem:s2+$0x6410];
	[tilespmem:s30+$0x12C20] =	vst v3;
	s30 =	smov.u32 s2  }
0x64: {  	v3 =	vld [tilespmem:s30+$0x6420]  }
0x65: {  	_ = 	snop  }
0x66: {  	s2 =	sadd.s32 s5, s29;
	[tilespmem:s30+$0x12C30] =	vst v2  }
0x67: {  	s2 =	smul.u32 $0xC80, s2;
	[tilespmem:s30+$0x12C00] =	vst v1  }
0x68: {  	[tilespmem:s30+$0x12C10] =	vst v0  }
0x69: {  	s29 =	simm.s32 $0x0;
	s2 =	sadd.s32 s4, s2;
	[tilespmem:s30+$0x12C20] =	vst v3  }
0x6a: {  	[hbm4b:s2+s29] =	stream.linear.scatter [tilespmem:s20], [sflag:$0x3], $0x6400, $0x38;
	[tilespmem:$0x1F400] =	vst v63  }
0x6b: {  	_ =	swait.ge [sflag:s21], $0x4000  }
0x6c: {  	[sflag:s21] =	ssyncset.done $0x0  }
0x6d: {  	[sflag:s21] =	ssyncadd.s32 $0xFFFFC000  }
0x6e: {  	_ =	swait.ge [sflag:s21], $0x2400  }
0x6f: {  	[sflag:s21] =	ssyncset.done $0x0  }
0x70: {  	[sflag:s21] =	ssyncadd.s32 $0xFFFFDC00  }
0x71: {  	_ =	swait.ge [sflag:s24], $0x6400  }
0x72: {  	[sflag:s24] =	ssyncset.done $0x0  }
0x73: {  	s29 =	simm.s32 $0x0;
	[sflag:s24] =	ssyncadd.s32 $0xFFFF9C00  }
0x74: {  	v2 =	vld [tilespmem:s29+$0xC830]  }
0x75: {  	v1 =	vld [tilespmem:s29+$0xC800]  }
0x76: {  	v0 =	vld [tilespmem:s29+$0xC810]  }
0x77: {  	s30 =	simm.s32 $0x200;
	v3 =	vld [tilespmem:s29+$0xC820]  }
.LBB2_9:
0x78: {  	p0 =	sne.s32 s30, $0x18E00  }
.Ltmp3:
0x79: {  	s2 =	sshra.s32 s30, $0x2;
	s30 =	sadd.s32 $0x200, s30;
	[tilespmem:s29+$0x19030] =	vst v2;
	(pc) =	sbr.rel @p0 .LBB2_9-.Ltmp3, $4  }
0x7a: {  	v2 =	vld [tilespmem:s2+$0xC830];
	[tilespmem:s29+$0x19000] =	vst v1  }
0x7b: {  	v1 =	vld [tilespmem:s2+$0xC800];
	[tilespmem:s29+$0x19010] =	vst v0  }
0x7c: {  	v0 =	vld [tilespmem:s2+$0xC810];
	[tilespmem:s29+$0x19020] =	vst v3;
	s29 =	smov.u32 s2  }
0x7d: {  	v3 =	vld [tilespmem:s29+$0xC820]  }
0x7e: {  	s26 =	sadd.s32 $0x1, s26  }
0x7f: {  	p0 =	sne.s32 s26, $0x3F  }
.Ltmp4:
0x80: {  	s2 =	sadd.s32 s5, s28;
	[tilespmem:s29+$0x19030] =	vst v2;
	(pc) =	sbr.rel @p0 .LBB2_6-.Ltmp4, $4  }
0x81: {  	s2 =	smul.u32 $0xC80, s2;
	[tilespmem:s29+$0x19000] =	vst v1  }
0x82: {  	[tilespmem:s29+$0x19010] =	vst v0  }
0x83: {  	s2 =	sadd.s32 s4, s2;
	[tilespmem:s29+$0x19020] =	vst v3  }
0x84: {  	[hbm4b:s2+s3] =	stream.linear.scatter [tilespmem:s22], [sflag:$0x4], $0x6400, $0x38;
	[tilespmem:$0x1F400] =	vst v63  }
0x85: {  	s25 =	sadd.s32 $0x1, s25  }
0x86: {  	_ =	swait.ge [sflag:s23], $0x6400;
	p0 =	sne.s32 s25, s9  }
.Ltmp5:
0x87: {  	[sflag:s23] =	ssyncset.done $0x0;
	(pc) =	sbr.rel @p0 .LBB2_1-.Ltmp5, $4  }
0x88: {  	[sflag:s23] =	ssyncadd.s32 $0xFFFF9C00  }
0x89: {  	_ =	swait.ge [sflag:s24], $0x6400  }
0x8a: {  	[sflag:s24] =	ssyncset.done $0x0  }
0x8b: {  	[sflag:s24] =	ssyncadd.s32 $0xFFFF9C00  }
0x8c: {  	_ =	sfence.sel $0x180000  }
0x8d: {  	[bflag:$0x0] =	sbarrier.arrive $0xFFFF  }
0x8e: {  	_ =	strace $0x90000047  }
0x8f: {  	[bflag:$0x2] =	sbarrier.arrive $0xFFFF  }
0x90: {  	p0 =	sne.s32 s0, $0x0;
	s0 =	rddreg [dreg:$0x3]  }
0x91: {  	s0 =	sadd.s32 @!p0 $0x100000, s0  }
0x92: {  	[sflag:s0] =	ssyncadd.tile.s32 @!p0 $0x1;
	_ =	shalt  }
.Lfunc_end2:
_tile_overlayer_lowered:
.L_overlay_start_2:
0x93: {  	(tag) =	ssettag $0x2  }
0x94: {  	s0 =	rddreg [dreg:$0x0];
	s2 =	stileid.u32  }
0x95: {  	s1 =	rddreg [dreg:$0x1];
	p0 =	sne.s32 s2, $0x0  }
0x96: {  	s3 =	rddreg [dreg:$0x2];
	[bflag:$0x3] =	sbarrier.arrive $0xFFFF;
	s2 =	simm.s32 @!p0 $0x1C05  }
0x97: {  	[timem:s3], [sflag:s2] =	dma.local @!p0 [hbm:s0], s1  }
0x98: {  	s0 =	simm.s32 @!p0 $0x5  }
0x99: {  	_ =	swait.ge @!p0 [sflag:s0], s1  }
0x9a: {  	s1 =	ssub.s32 @!p0 $0x0, s1;
	[sflag:s0] =	ssyncset.done @!p0 $0x0  }
0x9b: {  	[sflag:s0] =	ssyncadd.s32 @!p0 s1  }
0x9c: {  	[bflag:$0x3] =	sbarrier.arrive $0xFFFF  }
0x9d: {  	_ =	shalt  }

</sc_bundles>
